<compile_context>
chip_gen: v7x
topology: tpu7x:2x2x1
jax: 0.10.2.dev20260603
libtpu: 0.0.44.dev20260713+nightly
codegen_flags: <defaults>
</compile_context>

<pallas_src>
import functools

import jax
import jax.numpy as jnp
from jax import lax
from jax.experimental import pallas as pl
from jax.experimental.pallas import tpu as pltpu
from jax.experimental.pallas import tpu_sc as plsc

SEQ_LEN = 8192
NUM_VALUES = 21
NUM_CORES = 1
NUM_SUBCORES = 16
LANES = 16
NUM_WORKERS = NUM_CORES * NUM_SUBCORES
ROWS_PER_TILE = SEQ_LEN // NUM_WORKERS
CHUNKS = ROWS_PER_TILE // LANES
QUARTERS = 2

_LN2 = 0.6931471805599453
_LN_COEFFS = (
    -0.017029610590466433, 0.1837008411638296, -0.8520795951885867,
    2.2269434608355745, -3.6471203953770273, 4.205234841506999,
    -2.0996478486876624,
)


def _split(x):
    bits = plsc.bitcast(x, jnp.int32)
    e_raw = lax.shift_right_logical(bits, 23)
    mbits = (bits & 0x007FFFFF) | 0x3F800000
    return plsc.bitcast(mbits, jnp.float32), e_raw


def _vlog_parts(x):
    m, e_raw = _split(x)
    p = jnp.float32(_LN_COEFFS[0])
    for c in _LN_COEFFS[1:]:
        p = p * m + jnp.float32(c)
    return p, e_raw


_mesh = plsc.VectorSubcoreMesh(
    core_axis_name="c", subcore_axis_name="s",
    num_cores=NUM_CORES, num_subcores=NUM_SUBCORES,
)


@functools.partial(
    pl.kernel,
    out_type=jax.ShapeDtypeStruct((1,), jnp.float32),
    mesh=_mesh,
    compiler_params=pltpu.CompilerParams(needs_layout_passes=False),
    scratch_types=[
        pltpu.VMEM((ROWS_PER_TILE,), jnp.int32),
        pltpu.VMEM((ROWS_PER_TILE, NUM_VALUES), jnp.float32),
        pltpu.VMEM((LANES,), jnp.float32),
        pltpu.VMEM_SHARED((NUM_SUBCORES * 8,), jnp.float32),
        pltpu.VMEM((NUM_SUBCORES * 8,), jnp.float32),
        pltpu.VMEM((LANES,), jnp.float32),
        pltpu.SemaphoreType.DMA,
        pltpu.SemaphoreType.DMA,
        pltpu.SemaphoreType.DMA,
        pltpu.SemaphoreType.DMA,
        pltpu.SemaphoreType.DMA,
    ],
)
def _sc_logprob(seq_hbm, tab_hbm, out_hbm, seq_v, rows_v, acc_v,
                shared_sp, gath_v, res_v, sem_s, sem_q0, sem_q1, sem_q2,
                sem_q3):
    sid = lax.axis_index("s")
    base = sid * ROWS_PER_TILE
    qrows = ROWS_PER_TILE // QUARTERS
    qwords = qrows * NUM_VALUES
    cp_seq = pltpu.async_copy(
        seq_hbm.at[pl.ds(base, ROWS_PER_TILE)], seq_v, sem_s)
    cps = []
    for q, sem in enumerate((sem_q0, sem_q1, sem_q2, sem_q3)[:QUARTERS]):
        cps.append(pltpu.async_copy(
            tab_hbm.at[pl.ds(base + q * qrows, qrows)],
            rows_v.at[pl.ds(q * qrows, qrows)], sem))
    cp_seq.wait()
    acc_f = jnp.zeros((LANES,), jnp.float32)
    acc_e = jnp.zeros((LANES,), jnp.int32)
    lane_iota = lax.iota(jnp.int32, LANES)
    for q in range(QUARTERS):
        cps[q].wait()
        for jp in range(CHUNKS // QUARTERS // 2):
            j = q * (CHUNKS // QUARTERS) + 2 * jp
            cols0 = seq_v[pl.ds(j * LANES, LANES)]
            rows0 = lane_iota + (j * LANES)
            vals0 = plsc.load_gather(rows_v, [rows0, cols0])
            cols1 = seq_v[pl.ds((j + 1) * LANES, LANES)]
            rows1 = lane_iota + ((j + 1) * LANES)
            vals1 = plsc.load_gather(rows_v, [rows1, cols1])
            m0, e0 = _split(vals0)
            m1, e1 = _split(vals1)
            p, eq = _vlog_parts(m0 * m1)
            acc_f = acc_f + p
            acc_e = acc_e + (e0 + e1 + eq)
    tile_total = jnp.sum(
        acc_f
        + (acc_e.astype(jnp.float32) - (127.0 * 3 * (CHUNKS // 2))) * _LN2)
    acc_v[...] = jnp.broadcast_to(tile_total, (LANES,))
    pltpu.sync_copy(acc_v.at[pl.ds(0, 8)], shared_sp.at[pl.ds(sid * 8, 8)])
    plsc.subcore_barrier()

    @pl.when(sid == 0)
    def _():
        pltpu.sync_copy(shared_sp, gath_v)
        total = jnp.zeros((LANES,), jnp.float32)
        for k in range(NUM_SUBCORES // 2):
            total = total + gath_v[pl.ds(k * LANES, LANES)]
        res_v[...] = jnp.broadcast_to(jnp.float32(-0.125) * jnp.sum(total),
                                      (LANES,))
        pltpu.sync_copy(res_v.at[pl.ds(0, 1)], out_hbm)


def kernel(sequence, site_probabilities):
    res = _sc_logprob(sequence.astype(jnp.int32), site_probabilities)
    return res.reshape(())

# --- scband reference (transcript-rebuilt; emitter-appended) ---
"""Pipeline reference for scband-random-site-independent-model-9405978378797 (READ-ONLY COPY).

The authoritative reference and input builder live on the scoring server;
editing this copy changes nothing except your own understanding.
"""

import jax, jax.numpy as jnp
import numpy as np

SEQ_LEN = 8192
NUM_VALUES = 21
BETA = 1.0


def setup_inputs(seed: int = 0) -> dict:
    key = jax.random.key(seed)
    k1, _ = jax.random.split(key)
    sequence = jax.random.randint(k1, (SEQ_LEN,), 0, NUM_VALUES, dtype=jnp.int32)
    # buffer built in __init__: uniform site probabilities
    site_probabilities = jnp.full((SEQ_LEN, NUM_VALUES), 1.0 / NUM_VALUES, dtype=jnp.float32)
    return {"sequence": sequence, "site_probabilities": site_probabilities}


def reference(sequence, site_probabilities):
    seq = sequence.astype(jnp.int32)
    # gather: site_probabilities[arange(L), sequence]
    positions = jnp.arange(seq.shape[0], dtype=jnp.int32)
    sequence_log_probs = site_probabilities[positions, seq]
    log_probability = jnp.log(sequence_log_probs).sum() * BETA
    return -log_probability

if __name__ == "__main__":
    import jax
    _d = setup_inputs()
    print(jax.jit(kernel)(*tuple(_d.values())))

</pallas_src>

<mosaic_0001>
#map = affine_map<(d0, d1) -> (0)>
#map1 = affine_map<(d0, d1) -> (0, 0)>
module attributes {stable_mosaic.version = 14 : i64} {
  func.func @_sc_logprob(%arg0: i32, %arg1: i32, %arg2: memref<8192xi32, #tpu.memory_space<hbm>>, %arg3: memref<8192x21xf32, #tpu.memory_space<hbm>>, %arg4: memref<1xf32, #tpu.memory_space<hbm>>, %arg5: memref<512xi32, #tpu.memory_space<vmem>>, %arg6: memref<512x21xf32, #tpu.memory_space<vmem>>, %arg7: memref<16xf32, #tpu.memory_space<vmem>>, %arg8: memref<128xf32, #tpu.memory_space<vmem_shared>>, %arg9: memref<128xf32, #tpu.memory_space<vmem>>, %arg10: memref<16xf32, #tpu.memory_space<vmem>>, %arg11: memref<!tpu.dma_semaphore, #tpu.memory_space<semaphore_mem>>, %arg12: memref<!tpu.dma_semaphore, #tpu.memory_space<semaphore_mem>>, %arg13: memref<!tpu.dma_semaphore, #tpu.memory_space<semaphore_mem>>, %arg14: memref<!tpu.dma_semaphore, #tpu.memory_space<semaphore_mem>>, %arg15: memref<!tpu.dma_semaphore, #tpu.memory_space<semaphore_mem>>) attributes {dimension_semantics = [#tpu.dimension_semantics<core_parallel>, #tpu.dimension_semantics<subcore_parallel>], iteration_bounds = array<i64: 1, 16>, scalar_prefetch = 0 : i64, scratch_operands = 11 : i64, tpu.core_type = #tpu.core_type<sc_vector_subcore>, window_params = [{transform_indices = #map}, {transform_indices = #map1}, {transform_indices = #map}]} {
    %mul3A = arith.constant 512 : i32
    %mul3A_0 = arith.muli %arg1, %mul3A : i32
    %dma_start3A = tpu.memref_slice %arg2[%mul3A_0] : memref<8192xi32, #tpu.memory_space<hbm>> -> memref<512xi32, #tpu.memory_space<hbm>>
    %dma_start3A_1 = tpu.memref_slice %arg2[%mul3A_0] : memref<8192xi32, #tpu.memory_space<hbm>> -> memref<512xi32, #tpu.memory_space<hbm>>
    tpu.enqueue_dma source(%dma_start3A_1 : memref<512xi32, #tpu.memory_space<hbm>>) target(%arg5 : memref<512xi32, #tpu.memory_space<vmem>>) target_semaphore(%arg11 : memref<!tpu.dma_semaphore, #tpu.memory_space<semaphore_mem>>)
    %add3A = arith.constant 0 : i32
    %add3A_2 = arith.addi %mul3A_0, %add3A : i32
    %dma_start3A_3 = arith.constant 0 : i32
    %dma_start3A_4 = arith.constant 0 : i32
    %dma_start3A_5 = tpu.memref_slice %arg6[%dma_start3A_3, %dma_start3A_4] : memref<512x21xf32, #tpu.memory_space<vmem>> -> memref<256x21xf32, #tpu.memory_space<vmem>>
    %dma_start3A_6 = arith.constant 0 : i32
    %dma_start3A_7 = tpu.memref_slice %arg3[%add3A_2, %dma_start3A_6] : memref<8192x21xf32, #tpu.memory_space<hbm>> -> memref<256x21xf32, #tpu.memory_space<hbm>>
    %dma_start3A_8 = arith.constant 0 : i32
    %dma_start3A_9 = arith.constant 0 : i32
    %dma_start3A_10 = tpu.memref_slice %arg6[%dma_start3A_8, %dma_start3A_9] : memref<512x21xf32, #tpu.memory_space<vmem>> -> memref<256x21xf32, #tpu.memory_space<vmem>>
    %dma_start3A_11 = arith.constant 0 : i32
    %dma_start3A_12 = tpu.memref_slice %arg3[%add3A_2, %dma_start3A_11] : memref<8192x21xf32, #tpu.memory_space<hbm>> -> memref<256x21xf32, #tpu.memory_space<hbm>>
    tpu.enqueue_dma source(%dma_start3A_12 : memref<256x21xf32, #tpu.memory_space<hbm>>) target(%dma_start3A_10 : memref<256x21xf32, #tpu.memory_space<vmem>>) target_semaphore(%arg12 : memref<!tpu.dma_semaphore, #tpu.memory_space<semaphore_mem>>)
    %add3A_13 = arith.constant 256 : i32
    %add3A_14 = arith.addi %mul3A_0, %add3A_13 : i32
    %dma_start3A_15 = arith.constant 256 : i32
    %dma_start3A_16 = arith.constant 0 : i32
    %dma_start3A_17 = tpu.memref_slice %arg6[%dma_start3A_15, %dma_start3A_16] : memref<512x21xf32, #tpu.memory_space<vmem>> -> memref<256x21xf32, #tpu.memory_space<vmem>>
    %dma_start3A_18 = arith.constant 0 : i32
    %dma_start3A_19 = tpu.memref_slice %arg3[%add3A_14, %dma_start3A_18] : memref<8192x21xf32, #tpu.memory_space<hbm>> -> memref<256x21xf32, #tpu.memory_space<hbm>>
    %dma_start3A_20 = arith.constant 256 : i32
    %dma_start3A_21 = arith.constant 0 : i32
    %dma_start3A_22 = tpu.memref_slice %arg6[%dma_start3A_20, %dma_start3A_21] : memref<512x21xf32, #tpu.memory_space<vmem>> -> memref<256x21xf32, #tpu.memory_space<vmem>>
    %dma_start3A_23 = arith.constant 0 : i32
    %dma_start3A_24 = tpu.memref_slice %arg3[%add3A_14, %dma_start3A_23] : memref<8192x21xf32, #tpu.memory_space<hbm>> -> memref<256x21xf32, #tpu.memory_space<hbm>>
    tpu.enqueue_dma source(%dma_start3A_24 : memref<256x21xf32, #tpu.memory_space<hbm>>) target(%dma_start3A_22 : memref<256x21xf32, #tpu.memory_space<vmem>>) target_semaphore(%arg13 : memref<!tpu.dma_semaphore, #tpu.memory_space<semaphore_mem>>)
    %dma_wait3A = tpu.memref_slice %arg2[%mul3A_0] : memref<8192xi32, #tpu.memory_space<hbm>> -> memref<512xi32, #tpu.memory_space<hbm>>
    %dma_wait3A_25 = tpu.memref_slice %arg2[%mul3A_0] : memref<8192xi32, #tpu.memory_space<hbm>> -> memref<512xi32, #tpu.memory_space<hbm>>
    tpu.wait_dma2 semaphore(%arg11 : memref<!tpu.dma_semaphore, #tpu.memory_space<semaphore_mem>>) src(%dma_wait3A_25 : memref<512xi32, #tpu.memory_space<hbm>>) dst(%arg5 : memref<512xi32, #tpu.memory_space<vmem>>)
    %broadcast_in_dim3A = arith.constant 0.000000e+00 : f32
    %broadcast_in_dim3A_26 = vector.broadcast %broadcast_in_dim3A : f32 to vector<16xf32>
    %broadcast_in_dim3A_27 = arith.constant 0 : i32
    %broadcast_in_dim3A_28 = vector.broadcast %broadcast_in_dim3A_27 : i32 to vector<16xi32>
    %iota3A = tpu.iota {dimensions = array<i32: 0>} : vector<16xi32>
    %dma_wait3A_29 = arith.constant 0 : i32
    %dma_wait3A_30 = arith.constant 0 : i32
    %dma_wait3A_31 = tpu.memref_slice %arg6[%dma_wait3A_29, %dma_wait3A_30] : memref<512x21xf32, #tpu.memory_space<vmem>> -> memref<256x21xf32, #tpu.memory_space<vmem>>
    %dma_wait3A_32 = arith.constant 0 : i32
    %dma_wait3A_33 = tpu.memref_slice %arg3[%add3A_2, %dma_wait3A_32] : memref<8192x21xf32, #tpu.memory_space<hbm>> -> memref<256x21xf32, #tpu.memory_space<hbm>>
    %dma_wait3A_34 = arith.constant 0 : i32
    %dma_wait3A_35 = arith.constant 0 : i32
    %dma_wait3A_36 = tpu.memref_slice %arg6[%dma_wait3A_34, %dma_wait3A_35] : memref<512x21xf32, #tpu.memory_space<vmem>> -> memref<256x21xf32, #tpu.memory_space<vmem>>
    %dma_wait3A_37 = arith.constant 0 : i32
    %dma_wait3A_38 = tpu.memref_slice %arg3[%add3A_2, %dma_wait3A_37] : memref<8192x21xf32, #tpu.memory_space<hbm>> -> memref<256x21xf32, #tpu.memory_space<hbm>>
    tpu.wait_dma2 semaphore(%arg12 : memref<!tpu.dma_semaphore, #tpu.memory_space<semaphore_mem>>) src(%dma_wait3A_38 : memref<256x21xf32, #tpu.memory_space<hbm>>) dst(%dma_wait3A_36 : memref<256x21xf32, #tpu.memory_space<vmem>>)
    %get3A = arith.constant 0 : index
    %get3A_39 = tpu.vector_load %arg5[%get3A] {strides = array<i32>} : memref<512xi32, #tpu.memory_space<vmem>>, vector<16xi32>,
    %add3A_40 = arith.constant 0 : i32
    %add3A_41 = vector.broadcast %add3A_40 : i32 to vector<16xi32>
    %add3A_42 = arith.addi %iota3A, %add3A_41 : vector<16xi32>
    %gather3A = tpu.vector_load_idx %arg6[%add3A_42, %get3A_39] : memref<512x21xf32, #tpu.memory_space<vmem>>[vector<16xi32>, vector<16xi32>], vector<16xf32>,
    %get3A_43 = arith.constant 16 : index
    %get3A_44 = tpu.vector_load %arg5[%get3A_43] {strides = array<i32>} : memref<512xi32, #tpu.memory_space<vmem>>, vector<16xi32>,
    %add3A_45 = arith.constant 16 : i32
    %add3A_46 = vector.broadcast %add3A_45 : i32 to vector<16xi32>
    %add3A_47 = arith.addi %iota3A, %add3A_46 : vector<16xi32>
    %gather3A_48 = tpu.vector_load_idx %arg6[%add3A_47, %get3A_44] : memref<512x21xf32, #tpu.memory_space<vmem>>[vector<16xi32>, vector<16xi32>], vector<16xf32>,
    %bitcast3A = vector.bitcast %gather3A : vector<16xf32> to vector<16xi32>
    %shift_right_logical3A = arith.constant 23 : i32
    %shift_right_logical3A_49 = vector.broadcast %shift_right_logical3A : i32 to vector<16xi32>
    %shift_right_logical3A_50 = arith.shrui %bitcast3A, %shift_right_logical3A_49 : vector<16xi32>
    %and3A = arith.constant 8388607 : i32
    %and3A_51 = vector.broadcast %and3A : i32 to vector<16xi32>
    %and3A_52 = arith.andi %bitcast3A, %and3A_51 : vector<16xi32>
    %or3A = arith.constant 1065353216 : i32
    %or3A_53 = vector.broadcast %or3A : i32 to vector<16xi32>
    %or3A_54 = arith.ori %and3A_52, %or3A_53 : vector<16xi32>
    %bitcast3A_55 = vector.bitcast %or3A_54 : vector<16xi32> to vector<16xf32>
    %bitcast3A_56 = vector.bitcast %gather3A_48 : vector<16xf32> to vector<16xi32>
    %shift_right_logical3A_57 = arith.constant 23 : i32
    %shift_right_logical3A_58 = vector.broadcast %shift_right_logical3A_57 : i32 to vector<16xi32>
    %shift_right_logical3A_59 = arith.shrui %bitcast3A_56, %shift_right_logical3A_58 : vector<16xi32>
    %and3A_60 = arith.constant 8388607 : i32
    %and3A_61 = vector.broadcast %and3A_60 : i32 to vector<16xi32>
    %and3A_62 = arith.andi %bitcast3A_56, %and3A_61 : vector<16xi32>
    %or3A_63 = arith.constant 1065353216 : i32
    %or3A_64 = vector.broadcast %or3A_63 : i32 to vector<16xi32>
    %or3A_65 = arith.ori %and3A_62, %or3A_64 : vector<16xi32>
    %bitcast3A_66 = vector.bitcast %or3A_65 : vector<16xi32> to vector<16xf32>
    %mul3A_67 = arith.mulf %bitcast3A_55, %bitcast3A_66 : vector<16xf32>
    %bitcast3A_68 = vector.bitcast %mul3A_67 : vector<16xf32> to vector<16xi32>
    %shift_right_logical3A_69 = arith.constant 23 : i32
    %shift_right_logical3A_70 = vector.broadcast %shift_right_logical3A_69 : i32 to vector<16xi32>
    %shift_right_logical3A_71 = arith.shrui %bitcast3A_68, %shift_right_logical3A_70 : vector<16xi32>
    %and3A_72 = arith.constant 8388607 : i32
    %and3A_73 = vector.broadcast %and3A_72 : i32 to vector<16xi32>
    %and3A_74 = arith.andi %bitcast3A_68, %and3A_73 : vector<16xi32>
    %or3A_75 = arith.constant 1065353216 : i32
    %or3A_76 = vector.broadcast %or3A_75 : i32 to vector<16xi32>
    %or3A_77 = arith.ori %and3A_74, %or3A_76 : vector<16xi32>
    %bitcast3A_78 = vector.bitcast %or3A_77 : vector<16xi32> to vector<16xf32>
    %mul3A_79 = arith.constant -0.0170296114 : f32
    %mul3A_80 = vector.broadcast %mul3A_79 : f32 to vector<16xf32>
    %mul3A_81 = arith.mulf %mul3A_80, %bitcast3A_78 : vector<16xf32>
    %add3A_82 = arith.constant 0.183700845 : f32
    %add3A_83 = vector.broadcast %add3A_82 : f32 to vector<16xf32>
    %add3A_84 = arith.addf %mul3A_81, %add3A_83 : vector<16xf32>
    %mul3A_85 = arith.mulf %add3A_84, %bitcast3A_78 : vector<16xf32>
    %add3A_86 = arith.constant -0.85207957 : f32
    %add3A_87 = vector.broadcast %add3A_86 : f32 to vector<16xf32>
    %add3A_88 = arith.addf %mul3A_85, %add3A_87 : vector<16xf32>
    %mul3A_89 = arith.mulf %add3A_88, %bitcast3A_78 : vector<16xf32>
    %add3A_90 = arith.constant 2.22694349 : f32
    %add3A_91 = vector.broadcast %add3A_90 : f32 to vector<16xf32>
    %add3A_92 = arith.addf %mul3A_89, %add3A_91 : vector<16xf32>
    %mul3A_93 = arith.mulf %add3A_92, %bitcast3A_78 : vector<16xf32>
    %add3A_94 = arith.constant -3.64712048 : f32
    %add3A_95 = vector.broadcast %add3A_94 : f32 to vector<16xf32>
    %add3A_96 = arith.addf %mul3A_93, %add3A_95 : vector<16xf32>
    %mul3A_97 = arith.mulf %add3A_96, %bitcast3A_78 : vector<16xf32>
    %add3A_98 = arith.constant 4.205235 : f32
    %add3A_99 = vector.broadcast %add3A_98 : f32 to vector<16xf32>
    %add3A_100 = arith.addf %mul3A_97, %add3A_99 : vector<16xf32>
    %mul3A_101 = arith.mulf %add3A_100, %bitcast3A_78 : vector<16xf32>
    %add3A_102 = arith.constant -2.09964776 : f32
    %add3A_103 = vector.broadcast %add3A_102 : f32 to vector<16xf32>
    %add3A_104 = arith.addf %mul3A_101, %add3A_103 : vector<16xf32>
    %add3A_105 = arith.addf %broadcast_in_dim3A_26, %add3A_104 : vector<16xf32>
    %add3A_106 = arith.addi %shift_right_logical3A_50, %shift_right_logical3A_59 : vector<16xi32>
    %add3A_107 = arith.addi %add3A_106, %shift_right_logical3A_71 : vector<16xi32>
    %add3A_108 = arith.addi %broadcast_in_dim3A_28, %add3A_107 : vector<16xi32>
    %get3A_109 = arith.constant 32 : index
    %get3A_110 = tpu.vector_load %arg5[%get3A_109] {strides = array<i32>} : memref<512xi32, #tpu.memory_space<vmem>>, vector<16xi32>,
    %add3A_111 = arith.constant 32 : i32
    %add3A_112 = vector.broadcast %add3A_111 : i32 to vector<16xi32>
    %add3A_113 = arith.addi %iota3A, %add3A_112 : vector<16xi32>
    %gather3A_114 = tpu.vector_load_idx %arg6[%add3A_113, %get3A_110] : memref<512x21xf32, #tpu.memory_space<vmem>>[vector<16xi32>, vector<16xi32>], vector<16xf32>,
    %get3A_115 = arith.constant 48 : index
    %get3A_116 = tpu.vector_load %arg5[%get3A_115] {strides = array<i32>} : memref<512xi32, #tpu.memory_space<vmem>>, vector<16xi32>,
    %add3A_117 = arith.constant 48 : i32
    %add3A_118 = vector.broadcast %add3A_117 : i32 to vector<16xi32>
    %add3A_119 = arith.addi %iota3A, %add3A_118 : vector<16xi32>
    %gather3A_120 = tpu.vector_load_idx %arg6[%add3A_119, %get3A_116] : memref<512x21xf32, #tpu.memory_space<vmem>>[vector<16xi32>, vector<16xi32>], vector<16xf32>,
    %bitcast3A_121 = vector.bitcast %gather3A_114 : vector<16xf32> to vector<16xi32>
    %shift_right_logical3A_122 = arith.constant 23 : i32
    %shift_right_logical3A_123 = vector.broadcast %shift_right_logical3A_122 : i32 to vector<16xi32>
    %shift_right_logical3A_124 = arith.shrui %bitcast3A_121, %shift_right_logical3A_123 : vector<16xi32>
    %and3A_125 = arith.constant 8388607 : i32
    %and3A_126 = vector.broadcast %and3A_125 : i32 to vector<16xi32>
    %and3A_127 = arith.andi %bitcast3A_121, %and3A_126 : vector<16xi32>
    %or3A_128 = arith.constant 1065353216 : i32
    %or3A_129 = vector.broadcast %or3A_128 : i32 to vector<16xi32>
    %or3A_130 = arith.ori %and3A_127, %or3A_129 : vector<16xi32>
    %bitcast3A_131 = vector.bitcast %or3A_130 : vector<16xi32> to vector<16xf32>
    %bitcast3A_132 = vector.bitcast %gather3A_120 : vector<16xf32> to vector<16xi32>
    %shift_right_logical3A_133 = arith.constant 23 : i32
    %shift_right_logical3A_134 = vector.broadcast %shift_right_logical3A_133 : i32 to vector<16xi32>
    %shift_right_logical3A_135 = arith.shrui %bitcast3A_132, %shift_right_logical3A_134 : vector<16xi32>
    %and3A_136 = arith.constant 8388607 : i32
    %and3A_137 = vector.broadcast %and3A_136 : i32 to vector<16xi32>
    %and3A_138 = arith.andi %bitcast3A_132, %and3A_137 : vector<16xi32>
    %or3A_139 = arith.constant 1065353216 : i32
    %or3A_140 = vector.broadcast %or3A_139 : i32 to vector<16xi32>
    %or3A_141 = arith.ori %and3A_138, %or3A_140 : vector<16xi32>
    %bitcast3A_142 = vector.bitcast %or3A_141 : vector<16xi32> to vector<16xf32>
    %mul3A_143 = arith.mulf %bitcast3A_131, %bitcast3A_142 : vector<16xf32>
    %bitcast3A_144 = vector.bitcast %mul3A_143 : vector<16xf32> to vector<16xi32>
    %shift_right_logical3A_145 = arith.constant 23 : i32
    %shift_right_logical3A_146 = vector.broadcast %shift_right_logical3A_145 : i32 to vector<16xi32>
    %shift_right_logical3A_147 = arith.shrui %bitcast3A_144, %shift_right_logical3A_146 : vector<16xi32>
    %and3A_148 = arith.constant 8388607 : i32
    %and3A_149 = vector.broadcast %and3A_148 : i32 to vector<16xi32>
    %and3A_150 = arith.andi %bitcast3A_144, %and3A_149 : vector<16xi32>
    %or3A_151 = arith.constant 1065353216 : i32
    %or3A_152 = vector.broadcast %or3A_151 : i32 to vector<16xi32>
    %or3A_153 = arith.ori %and3A_150, %or3A_152 : vector<16xi32>
    %bitcast3A_154 = vector.bitcast %or3A_153 : vector<16xi32> to vector<16xf32>
    %mul3A_155 = arith.constant -0.0170296114 : f32
    %mul3A_156 = vector.broadcast %mul3A_155 : f32 to vector<16xf32>
    %mul3A_157 = arith.mulf %mul3A_156, %bitcast3A_154 : vector<16xf32>
    %add3A_158 = arith.constant 0.183700845 : f32
    %add3A_159 = vector.broadcast %add3A_158 : f32 to vector<16xf32>
    %add3A_160 = arith.addf %mul3A_157, %add3A_159 : vector<16xf32>
    %mul3A_161 = arith.mulf %add3A_160, %bitcast3A_154 : vector<16xf32>
    %add3A_162 = arith.constant -0.85207957 : f32
    %add3A_163 = vector.broadcast %add3A_162 : f32 to vector<16xf32>
    %add3A_164 = arith.addf %mul3A_161, %add3A_163 : vector<16xf32>
    %mul3A_165 = arith.mulf %add3A_164, %bitcast3A_154 : vector<16xf32>
    %add3A_166 = arith.constant 2.22694349 : f32
    %add3A_167 = vector.broadcast %add3A_166 : f32 to vector<16xf32>
    %add3A_168 = arith.addf %mul3A_165, %add3A_167 : vector<16xf32>
    %mul3A_169 = arith.mulf %add3A_168, %bitcast3A_154 : vector<16xf32>
    %add3A_170 = arith.constant -3.64712048 : f32
    %add3A_171 = vector.broadcast %add3A_170 : f32 to vector<16xf32>
    %add3A_172 = arith.addf %mul3A_169, %add3A_171 : vector<16xf32>
    %mul3A_173 = arith.mulf %add3A_172, %bitcast3A_154 : vector<16xf32>
    %add3A_174 = arith.constant 4.205235 : f32
    %add3A_175 = vector.broadcast %add3A_174 : f32 to vector<16xf32>
    %add3A_176 = arith.addf %mul3A_173, %add3A_175 : vector<16xf32>
    %mul3A_177 = arith.mulf %add3A_176, %bitcast3A_154 : vector<16xf32>
    %add3A_178 = arith.constant -2.09964776 : f32
    %add3A_179 = vector.broadcast %add3A_178 : f32 to vector<16xf32>
    %add3A_180 = arith.addf %mul3A_177, %add3A_179 : vector<16xf32>
    %add3A_181 = arith.addf %add3A_105, %add3A_180 : vector<16xf32>
    %add3A_182 = arith.addi %shift_right_logical3A_124, %shift_right_logical3A_135 : vector<16xi32>
    %add3A_183 = arith.addi %add3A_182, %shift_right_logical3A_147 : vector<16xi32>
    %add3A_184 = arith.addi %add3A_108, %add3A_183 : vector<16xi32>
    %get3A_185 = arith.constant 64 : index
    %get3A_186 = tpu.vector_load %arg5[%get3A_185] {strides = array<i32>} : memref<512xi32, #tpu.memory_space<vmem>>, vector<16xi32>,
    %add3A_187 = arith.constant 64 : i32
    %add3A_188 = vector.broadcast %add3A_187 : i32 to vector<16xi32>
    %add3A_189 = arith.addi %iota3A, %add3A_188 : vector<16xi32>
    %gather3A_190 = tpu.vector_load_idx %arg6[%add3A_189, %get3A_186] : memref<512x21xf32, #tpu.memory_space<vmem>>[vector<16xi32>, vector<16xi32>], vector<16xf32>,
    %get3A_191 = arith.constant 80 : index
    %get3A_192 = tpu.vector_load %arg5[%get3A_191] {strides = array<i32>} : memref<512xi32, #tpu.memory_space<vmem>>, vector<16xi32>,
    %add3A_193 = arith.constant 80 : i32
    %add3A_194 = vector.broadcast %add3A_193 : i32 to vector<16xi32>
    %add3A_195 = arith.addi %iota3A, %add3A_194 : vector<16xi32>
    %gather3A_196 = tpu.vector_load_idx %arg6[%add3A_195, %get3A_192] : memref<512x21xf32, #tpu.memory_space<vmem>>[vector<16xi32>, vector<16xi32>], vector<16xf32>,
    %bitcast3A_197 = vector.bitcast %gather3A_190 : vector<16xf32> to vector<16xi32>
    %shift_right_logical3A_198 = arith.constant 23 : i32
    %shift_right_logical3A_199 = vector.broadcast %shift_right_logical3A_198 : i32 to vector<16xi32>
    %shift_right_logical3A_200 = arith.shrui %bitcast3A_197, %shift_right_logical3A_199 : vector<16xi32>
    %and3A_201 = arith.constant 8388607 : i32
    %and3A_202 = vector.broadcast %and3A_201 : i32 to vector<16xi32>
    %and3A_203 = arith.andi %bitcast3A_197, %and3A_202 : vector<16xi32>
    %or3A_204 = arith.constant 1065353216 : i32
    %or3A_205 = vector.broadcast %or3A_204 : i32 to vector<16xi32>
    %or3A_206 = arith.ori %and3A_203, %or3A_205 : vector<16xi32>
    %bitcast3A_207 = vector.bitcast %or3A_206 : vector<16xi32> to vector<16xf32>
    %bitcast3A_208 = vector.bitcast %gather3A_196 : vector<16xf32> to vector<16xi32>
    %shift_right_logical3A_209 = arith.constant 23 : i32
    %shift_right_logical3A_210 = vector.broadcast %shift_right_logical3A_209 : i32 to vector<16xi32>
    %shift_right_logical3A_211 = arith.shrui %bitcast3A_208, %shift_right_logical3A_210 : vector<16xi32>
    %and3A_212 = arith.constant 8388607 : i32
    %and3A_213 = vector.broadcast %and3A_212 : i32 to vector<16xi32>
    %and3A_214 = arith.andi %bitcast3A_208, %and3A_213 : vector<16xi32>
    %or3A_215 = arith.constant 1065353216 : i32
    %or3A_216 = vector.broadcast %or3A_215 : i32 to vector<16xi32>
    %or3A_217 = arith.ori %and3A_214, %or3A_216 : vector<16xi32>
    %bitcast3A_218 = vector.bitcast %or3A_217 : vector<16xi32> to vector<16xf32>
    %mul3A_219 = arith.mulf %bitcast3A_207, %bitcast3A_218 : vector<16xf32>
    %bitcast3A_220 = vector.bitcast %mul3A_219 : vector<16xf32> to vector<16xi32>
    %shift_right_logical3A_221 = arith.constant 23 : i32
    %shift_right_logical3A_222 = vector.broadcast %shift_right_logical3A_221 : i32 to vector<16xi32>
    %shift_right_logical3A_223 = arith.shrui %bitcast3A_220, %shift_right_logical3A_222 : vector<16xi32>
    %and3A_224 = arith.constant 8388607 : i32
    %and3A_225 = vector.broadcast %and3A_224 : i32 to vector<16xi32>
    %and3A_226 = arith.andi %bitcast3A_220, %and3A_225 : vector<16xi32>
    %or3A_227 = arith.constant 1065353216 : i32
    %or3A_228 = vector.broadcast %or3A_227 : i32 to vector<16xi32>
    %or3A_229 = arith.ori %and3A_226, %or3A_228 : vector<16xi32>
    %bitcast3A_230 = vector.bitcast %or3A_229 : vector<16xi32> to vector<16xf32>
    %mul3A_231 = arith.constant -0.0170296114 : f32
    %mul3A_232 = vector.broadcast %mul3A_231 : f32 to vector<16xf32>
    %mul3A_233 = arith.mulf %mul3A_232, %bitcast3A_230 : vector<16xf32>
    %add3A_234 = arith.constant 0.183700845 : f32
    %add3A_235 = vector.broadcast %add3A_234 : f32 to vector<16xf32>
    %add3A_236 = arith.addf %mul3A_233, %add3A_235 : vector<16xf32>
    %mul3A_237 = arith.mulf %add3A_236, %bitcast3A_230 : vector<16xf32>
    %add3A_238 = arith.constant -0.85207957 : f32
    %add3A_239 = vector.broadcast %add3A_238 : f32 to vector<16xf32>
    %add3A_240 = arith.addf %mul3A_237, %add3A_239 : vector<16xf32>
    %mul3A_241 = arith.mulf %add3A_240, %bitcast3A_230 : vector<16xf32>
    %add3A_242 = arith.constant 2.22694349 : f32
    %add3A_243 = vector.broadcast %add3A_242 : f32 to vector<16xf32>
    %add3A_244 = arith.addf %mul3A_241, %add3A_243 : vector<16xf32>
    %mul3A_245 = arith.mulf %add3A_244, %bitcast3A_230 : vector<16xf32>
    %add3A_246 = arith.constant -3.64712048 : f32
    %add3A_247 = vector.broadcast %add3A_246 : f32 to vector<16xf32>
    %add3A_248 = arith.addf %mul3A_245, %add3A_247 : vector<16xf32>
    %mul3A_249 = arith.mulf %add3A_248, %bitcast3A_230 : vector<16xf32>
    %add3A_250 = arith.constant 4.205235 : f32
    %add3A_251 = vector.broadcast %add3A_250 : f32 to vector<16xf32>
    %add3A_252 = arith.addf %mul3A_249, %add3A_251 : vector<16xf32>
    %mul3A_253 = arith.mulf %add3A_252, %bitcast3A_230 : vector<16xf32>
    %add3A_254 = arith.constant -2.09964776 : f32
    %add3A_255 = vector.broadcast %add3A_254 : f32 to vector<16xf32>
    %add3A_256 = arith.addf %mul3A_253, %add3A_255 : vector<16xf32>
    %add3A_257 = arith.addf %add3A_181, %add3A_256 : vector<16xf32>
    %add3A_258 = arith.addi %shift_right_logical3A_200, %shift_right_logical3A_211 : vector<16xi32>
    %add3A_259 = arith.addi %add3A_258, %shift_right_logical3A_223 : vector<16xi32>
    %add3A_260 = arith.addi %add3A_184, %add3A_259 : vector<16xi32>
    %get3A_261 = arith.constant 96 : index
    %get3A_262 = tpu.vector_load %arg5[%get3A_261] {strides = array<i32>} : memref<512xi32, #tpu.memory_space<vmem>>, vector<16xi32>,
    %add3A_263 = arith.constant 96 : i32
    %add3A_264 = vector.broadcast %add3A_263 : i32 to vector<16xi32>
    %add3A_265 = arith.addi %iota3A, %add3A_264 : vector<16xi32>
    %gather3A_266 = tpu.vector_load_idx %arg6[%add3A_265, %get3A_262] : memref<512x21xf32, #tpu.memory_space<vmem>>[vector<16xi32>, vector<16xi32>], vector<16xf32>,
    %get3A_267 = arith.constant 112 : index
    %get3A_268 = tpu.vector_load %arg5[%get3A_267] {strides = array<i32>} : memref<512xi32, #tpu.memory_space<vmem>>, vector<16xi32>,
    %add3A_269 = arith.constant 112 : i32
    %add3A_270 = vector.broadcast %add3A_269 : i32 to vector<16xi32>
    %add3A_271 = arith.addi %iota3A, %add3A_270 : vector<16xi32>
    %gather3A_272 = tpu.vector_load_idx %arg6[%add3A_271, %get3A_268] : memref<512x21xf32, #tpu.memory_space<vmem>>[vector<16xi32>, vector<16xi32>], vector<16xf32>,
    %bitcast3A_273 = vector.bitcast %gather3A_266 : vector<16xf32> to vector<16xi32>
    %shift_right_logical3A_274 = arith.constant 23 : i32
    %shift_right_logical3A_275 = vector.broadcast %shift_right_logical3A_274 : i32 to vector<16xi32>
    %shift_right_logical3A_276 = arith.shrui %bitcast3A_273, %shift_right_logical3A_275 : vector<16xi32>
    %and3A_277 = arith.constant 8388607 : i32
    %and3A_278 = vector.broadcast %and3A_277 : i32 to vector<16xi32>
    %and3A_279 = arith.andi %bitcast3A_273, %and3A_278 : vector<16xi32>
    %or3A_280 = arith.constant 1065353216 : i32
    %or3A_281 = vector.broadcast %or3A_280 : i32 to vector<16xi32>
    %or3A_282 = arith.ori %and3A_279, %or3A_281 : vector<16xi32>
    %bitcast3A_283 = vector.bitcast %or3A_282 : vector<16xi32> to vector<16xf32>
    %bitcast3A_284 = vector.bitcast %gather3A_272 : vector<16xf32> to vector<16xi32>
    %shift_right_logical3A_285 = arith.constant 23 : i32
    %shift_right_logical3A_286 = vector.broadcast %shift_right_logical3A_285 : i32 to vector<16xi32>
    %shift_right_logical3A_287 = arith.shrui %bitcast3A_284, %shift_right_logical3A_286 : vector<16xi32>
    %and3A_288 = arith.constant 8388607 : i32
    %and3A_289 = vector.broadcast %and3A_288 : i32 to vector<16xi32>
    %and3A_290 = arith.andi %bitcast3A_284, %and3A_289 : vector<16xi32>
    %or3A_291 = arith.constant 1065353216 : i32
    %or3A_292 = vector.broadcast %or3A_291 : i32 to vector<16xi32>
    %or3A_293 = arith.ori %and3A_290, %or3A_292 : vector<16xi32>
    %bitcast3A_294 = vector.bitcast %or3A_293 : vector<16xi32> to vector<16xf32>
    %mul3A_295 = arith.mulf %bitcast3A_283, %bitcast3A_294 : vector<16xf32>
    %bitcast3A_296 = vector.bitcast %mul3A_295 : vector<16xf32> to vector<16xi32>
    %shift_right_logical3A_297 = arith.constant 23 : i32
    %shift_right_logical3A_298 = vector.broadcast %shift_right_logical3A_297 : i32 to vector<16xi32>
    %shift_right_logical3A_299 = arith.shrui %bitcast3A_296, %shift_right_logical3A_298 : vector<16xi32>
    %and3A_300 = arith.constant 8388607 : i32
    %and3A_301 = vector.broadcast %and3A_300 : i32 to vector<16xi32>
    %and3A_302 = arith.andi %bitcast3A_296, %and3A_301 : vector<16xi32>
    %or3A_303 = arith.constant 1065353216 : i32
    %or3A_304 = vector.broadcast %or3A_303 : i32 to vector<16xi32>
    %or3A_305 = arith.ori %and3A_302, %or3A_304 : vector<16xi32>
    %bitcast3A_306 = vector.bitcast %or3A_305 : vector<16xi32> to vector<16xf32>
    %mul3A_307 = arith.constant -0.0170296114 : f32
    %mul3A_308 = vector.broadcast %mul3A_307 : f32 to vector<16xf32>
    %mul3A_309 = arith.mulf %mul3A_308, %bitcast3A_306 : vector<16xf32>
    %add3A_310 = arith.constant 0.183700845 : f32
    %add3A_311 = vector.broadcast %add3A_310 : f32 to vector<16xf32>
    %add3A_312 = arith.addf %mul3A_309, %add3A_311 : vector<16xf32>
    %mul3A_313 = arith.mulf %add3A_312, %bitcast3A_306 : vector<16xf32>
    %add3A_314 = arith.constant -0.85207957 : f32
    %add3A_315 = vector.broadcast %add3A_314 : f32 to vector<16xf32>
    %add3A_316 = arith.addf %mul3A_313, %add3A_315 : vector<16xf32>
    %mul3A_317 = arith.mulf %add3A_316, %bitcast3A_306 : vector<16xf32>
    %add3A_318 = arith.constant 2.22694349 : f32
    %add3A_319 = vector.broadcast %add3A_318 : f32 to vector<16xf32>
    %add3A_320 = arith.addf %mul3A_317, %add3A_319 : vector<16xf32>
    %mul3A_321 = arith.mulf %add3A_320, %bitcast3A_306 : vector<16xf32>
    %add3A_322 = arith.constant -3.64712048 : f32
    %add3A_323 = vector.broadcast %add3A_322 : f32 to vector<16xf32>
    %add3A_324 = arith.addf %mul3A_321, %add3A_323 : vector<16xf32>
    %mul3A_325 = arith.mulf %add3A_324, %bitcast3A_306 : vector<16xf32>
    %add3A_326 = arith.constant 4.205235 : f32
    %add3A_327 = vector.broadcast %add3A_326 : f32 to vector<16xf32>
    %add3A_328 = arith.addf %mul3A_325, %add3A_327 : vector<16xf32>
    %mul3A_329 = arith.mulf %add3A_328, %bitcast3A_306 : vector<16xf32>
    %add3A_330 = arith.constant -2.09964776 : f32
    %add3A_331 = vector.broadcast %add3A_330 : f32 to vector<16xf32>
    %add3A_332 = arith.addf %mul3A_329, %add3A_331 : vector<16xf32>
    %add3A_333 = arith.addf %add3A_257, %add3A_332 : vector<16xf32>
    %add3A_334 = arith.addi %shift_right_logical3A_276, %shift_right_logical3A_287 : vector<16xi32>
    %add3A_335 = arith.addi %add3A_334, %shift_right_logical3A_299 : vector<16xi32>
    %add3A_336 = arith.addi %add3A_260, %add3A_335 : vector<16xi32>
    %get3A_337 = arith.constant 128 : index
    %get3A_338 = tpu.vector_load %arg5[%get3A_337] {strides = array<i32>} : memref<512xi32, #tpu.memory_space<vmem>>, vector<16xi32>,
    %add3A_339 = arith.constant 128 : i32
    %add3A_340 = vector.broadcast %add3A_339 : i32 to vector<16xi32>
    %add3A_341 = arith.addi %iota3A, %add3A_340 : vector<16xi32>
    %gather3A_342 = tpu.vector_load_idx %arg6[%add3A_341, %get3A_338] : memref<512x21xf32, #tpu.memory_space<vmem>>[vector<16xi32>, vector<16xi32>], vector<16xf32>,
    %get3A_343 = arith.constant 144 : index
    %get3A_344 = tpu.vector_load %arg5[%get3A_343] {strides = array<i32>} : memref<512xi32, #tpu.memory_space<vmem>>, vector<16xi32>,
    %add3A_345 = arith.constant 144 : i32
    %add3A_346 = vector.broadcast %add3A_345 : i32 to vector<16xi32>
    %add3A_347 = arith.addi %iota3A, %add3A_346 : vector<16xi32>
    %gather3A_348 = tpu.vector_load_idx %arg6[%add3A_347, %get3A_344] : memref<512x21xf32, #tpu.memory_space<vmem>>[vector<16xi32>, vector<16xi32>], vector<16xf32>,
    %bitcast3A_349 = vector.bitcast %gather3A_342 : vector<16xf32> to vector<16xi32>
    %shift_right_logical3A_350 = arith.constant 23 : i32
    %shift_right_logical3A_351 = vector.broadcast %shift_right_logical3A_350 : i32 to vector<16xi32>
    %shift_right_logical3A_352 = arith.shrui %bitcast3A_349, %shift_right_logical3A_351 : vector<16xi32>
    %and3A_353 = arith.constant 8388607 : i32
    %and3A_354 = vector.broadcast %and3A_353 : i32 to vector<16xi32>
    %and3A_355 = arith.andi %bitcast3A_349, %and3A_354 : vector<16xi32>
    %or3A_356 = arith.constant 1065353216 : i32
    %or3A_357 = vector.broadcast %or3A_356 : i32 to vector<16xi32>
    %or3A_358 = arith.ori %and3A_355, %or3A_357 : vector<16xi32>
    %bitcast3A_359 = vector.bitcast %or3A_358 : vector<16xi32> to vector<16xf32>
    %bitcast3A_360 = vector.bitcast %gather3A_348 : vector<16xf32> to vector<16xi32>
    %shift_right_logical3A_361 = arith.constant 23 : i32
    %shift_right_logical3A_362 = vector.broadcast %shift_right_logical3A_361 : i32 to vector<16xi32>
    %shift_right_logical3A_363 = arith.shrui %bitcast3A_360, %shift_right_logical3A_362 : vector<16xi32>
    %and3A_364 = arith.constant 8388607 : i32
    %and3A_365 = vector.broadcast %and3A_364 : i32 to vector<16xi32>
    %and3A_366 = arith.andi %bitcast3A_360, %and3A_365 : vector<16xi32>
    %or3A_367 = arith.constant 1065353216 : i32
    %or3A_368 = vector.broadcast %or3A_367 : i32 to vector<16xi32>
    %or3A_369 = arith.ori %and3A_366, %or3A_368 : vector<16xi32>
    %bitcast3A_370 = vector.bitcast %or3A_369 : vector<16xi32> to vector<16xf32>
    %mul3A_371 = arith.mulf %bitcast3A_359, %bitcast3A_370 : vector<16xf32>
    %bitcast3A_372 = vector.bitcast %mul3A_371 : vector<16xf32> to vector<16xi32>
    %shift_right_logical3A_373 = arith.constant 23 : i32
    %shift_right_logical3A_374 = vector.broadcast %shift_right_logical3A_373 : i32 to vector<16xi32>
    %shift_right_logical3A_375 = arith.shrui %bitcast3A_372, %shift_right_logical3A_374 : vector<16xi32>
    %and3A_376 = arith.constant 8388607 : i32
    %and3A_377 = vector.broadcast %and3A_376 : i32 to vector<16xi32>
    %and3A_378 = arith.andi %bitcast3A_372, %and3A_377 : vector<16xi32>
    %or3A_379 = arith.constant 1065353216 : i32
    %or3A_380 = vector.broadcast %or3A_379 : i32 to vector<16xi32>
    %or3A_381 = arith.ori %and3A_378, %or3A_380 : vector<16xi32>
    %bitcast3A_382 = vector.bitcast %or3A_381 : vector<16xi32> to vector<16xf32>
    %mul3A_383 = arith.constant -0.0170296114 : f32
    %mul3A_384 = vector.broadcast %mul3A_383 : f32 to vector<16xf32>
    %mul3A_385 = arith.mulf %mul3A_384, %bitcast3A_382 : vector<16xf32>
    %add3A_386 = arith.constant 0.183700845 : f32
    %add3A_387 = vector.broadcast %add3A_386 : f32 to vector<16xf32>
    %add3A_388 = arith.addf %mul3A_385, %add3A_387 : vector<16xf32>
    %mul3A_389 = arith.mulf %add3A_388, %bitcast3A_382 : vector<16xf32>
    %add3A_390 = arith.constant -0.85207957 : f32
    %add3A_391 = vector.broadcast %add3A_390 : f32 to vector<16xf32>
    %add3A_392 = arith.addf %mul3A_389, %add3A_391 : vector<16xf32>
    %mul3A_393 = arith.mulf %add3A_392, %bitcast3A_382 : vector<16xf32>
    %add3A_394 = arith.constant 2.22694349 : f32
    %add3A_395 = vector.broadcast %add3A_394 : f32 to vector<16xf32>
    %add3A_396 = arith.addf %mul3A_393, %add3A_395 : vector<16xf32>
    %mul3A_397 = arith.mulf %add3A_396, %bitcast3A_382 : vector<16xf32>
    %add3A_398 = arith.constant -3.64712048 : f32
    %add3A_399 = vector.broadcast %add3A_398 : f32 to vector<16xf32>
    %add3A_400 = arith.addf %mul3A_397, %add3A_399 : vector<16xf32>
    %mul3A_401 = arith.mulf %add3A_400, %bitcast3A_382 : vector<16xf32>
    %add3A_402 = arith.constant 4.205235 : f32
    %add3A_403 = vector.broadcast %add3A_402 : f32 to vector<16xf32>
    %add3A_404 = arith.addf %mul3A_401, %add3A_403 : vector<16xf32>
    %mul3A_405 = arith.mulf %add3A_404, %bitcast3A_382 : vector<16xf32>
    %add3A_406 = arith.constant -2.09964776 : f32
    %add3A_407 = vector.broadcast %add3A_406 : f32 to vector<16xf32>
    %add3A_408 = arith.addf %mul3A_405, %add3A_407 : vector<16xf32>
    %add3A_409 = arith.addf %add3A_333, %add3A_408 : vector<16xf32>
    %add3A_410 = arith.addi %shift_right_logical3A_352, %shift_right_logical3A_363 : vector<16xi32>
    %add3A_411 = arith.addi %add3A_410, %shift_right_logical3A_375 : vector<16xi32>
    %add3A_412 = arith.addi %add3A_336, %add3A_411 : vector<16xi32>
    %get3A_413 = arith.constant 160 : index
    %get3A_414 = tpu.vector_load %arg5[%get3A_413] {strides = array<i32>} : memref<512xi32, #tpu.memory_space<vmem>>, vector<16xi32>,
    %add3A_415 = arith.constant 160 : i32
    %add3A_416 = vector.broadcast %add3A_415 : i32 to vector<16xi32>
    %add3A_417 = arith.addi %iota3A, %add3A_416 : vector<16xi32>
    %gather3A_418 = tpu.vector_load_idx %arg6[%add3A_417, %get3A_414] : memref<512x21xf32, #tpu.memory_space<vmem>>[vector<16xi32>, vector<16xi32>], vector<16xf32>,
    %get3A_419 = arith.constant 176 : index
    %get3A_420 = tpu.vector_load %arg5[%get3A_419] {strides = array<i32>} : memref<512xi32, #tpu.memory_space<vmem>>, vector<16xi32>,
    %add3A_421 = arith.constant 176 : i32
    %add3A_422 = vector.broadcast %add3A_421 : i32 to vector<16xi32>
    %add3A_423 = arith.addi %iota3A, %add3A_422 : vector<16xi32>
    %gather3A_424 = tpu.vector_load_idx %arg6[%add3A_423, %get3A_420] : memref<512x21xf32, #tpu.memory_space<vmem>>[vector<16xi32>, vector<16xi32>], vector<16xf32>,
    %bitcast3A_425 = vector.bitcast %gather3A_418 : vector<16xf32> to vector<16xi32>
    %shift_right_logical3A_426 = arith.constant 23 : i32
    %shift_right_logical3A_427 = vector.broadcast %shift_right_logical3A_426 : i32 to vector<16xi32>
    %shift_right_logical3A_428 = arith.shrui %bitcast3A_425, %shift_right_logical3A_427 : vector<16xi32>
    %and3A_429 = arith.constant 8388607 : i32
    %and3A_430 = vector.broadcast %and3A_429 : i32 to vector<16xi32>
    %and3A_431 = arith.andi %bitcast3A_425, %and3A_430 : vector<16xi32>
    %or3A_432 = arith.constant 1065353216 : i32
    %or3A_433 = vector.broadcast %or3A_432 : i32 to vector<16xi32>
    %or3A_434 = arith.ori %and3A_431, %or3A_433 : vector<16xi32>
    %bitcast3A_435 = vector.bitcast %or3A_434 : vector<16xi32> to vector<16xf32>
    %bitcast3A_436 = vector.bitcast %gather3A_424 : vector<16xf32> to vector<16xi32>
    %shift_right_logical3A_437 = arith.constant 23 : i32
    %shift_right_logical3A_438 = vector.broadcast %shift_right_logical3A_437 : i32 to vector<16xi32>
    %shift_right_logical3A_439 = arith.shrui %bitcast3A_436, %shift_right_logical3A_438 : vector<16xi32>
    %and3A_440 = arith.constant 8388607 : i32
    %and3A_441 = vector.broadcast %and3A_440 : i32 to vector<16xi32>
    %and3A_442 = arith.andi %bitcast3A_436, %and3A_441 : vector<16xi32>
    %or3A_443 = arith.constant 1065353216 : i32
    %or3A_444 = vector.broadcast %or3A_443 : i32 to vector<16xi32>
    %or3A_445 = arith.ori %and3A_442, %or3A_444 : vector<16xi32>
    %bitcast3A_446 = vector.bitcast %or3A_445 : vector<16xi32> to vector<16xf32>
    %mul3A_447 = arith.mulf %bitcast3A_435, %bitcast3A_446 : vector<16xf32>
    %bitcast3A_448 = vector.bitcast %mul3A_447 : vector<16xf32> to vector<16xi32>
    %shift_right_logical3A_449 = arith.constant 23 : i32
    %shift_right_logical3A_450 = vector.broadcast %shift_right_logical3A_449 : i32 to vector<16xi32>
    %shift_right_logical3A_451 = arith.shrui %bitcast3A_448, %shift_right_logical3A_450 : vector<16xi32>
    %and3A_452 = arith.constant 8388607 : i32
    %and3A_453 = vector.broadcast %and3A_452 : i32 to vector<16xi32>
    %and3A_454 = arith.andi %bitcast3A_448, %and3A_453 : vector<16xi32>
    %or3A_455 = arith.constant 1065353216 : i32
    %or3A_456 = vector.broadcast %or3A_455 : i32 to vector<16xi32>
    %or3A_457 = arith.ori %and3A_454, %or3A_456 : vector<16xi32>
    %bitcast3A_458 = vector.bitcast %or3A_457 : vector<16xi32> to vector<16xf32>
    %mul3A_459 = arith.constant -0.0170296114 : f32
    %mul3A_460 = vector.broadcast %mul3A_459 : f32 to vector<16xf32>
    %mul3A_461 = arith.mulf %mul3A_460, %bitcast3A_458 : vector<16xf32>
    %add3A_462 = arith.constant 0.183700845 : f32
    %add3A_463 = vector.broadcast %add3A_462 : f32 to vector<16xf32>
    %add3A_464 = arith.addf %mul3A_461, %add3A_463 : vector<16xf32>
    %mul3A_465 = arith.mulf %add3A_464, %bitcast3A_458 : vector<16xf32>
    %add3A_466 = arith.constant -0.85207957 : f32
    %add3A_467 = vector.broadcast %add3A_466 : f32 to vector<16xf32>
    %add3A_468 = arith.addf %mul3A_465, %add3A_467 : vector<16xf32>
    %mul3A_469 = arith.mulf %add3A_468, %bitcast3A_458 : vector<16xf32>
    %add3A_470 = arith.constant 2.22694349 : f32
    %add3A_471 = vector.broadcast %add3A_470 : f32 to vector<16xf32>
    %add3A_472 = arith.addf %mul3A_469, %add3A_471 : vector<16xf32>
    %mul3A_473 = arith.mulf %add3A_472, %bitcast3A_458 : vector<16xf32>
    %add3A_474 = arith.constant -3.64712048 : f32
    %add3A_475 = vector.broadcast %add3A_474 : f32 to vector<16xf32>
    %add3A_476 = arith.addf %mul3A_473, %add3A_475 : vector<16xf32>
    %mul3A_477 = arith.mulf %add3A_476, %bitcast3A_458 : vector<16xf32>
    %add3A_478 = arith.constant 4.205235 : f32
    %add3A_479 = vector.broadcast %add3A_478 : f32 to vector<16xf32>
    %add3A_480 = arith.addf %mul3A_477, %add3A_479 : vector<16xf32>
    %mul3A_481 = arith.mulf %add3A_480, %bitcast3A_458 : vector<16xf32>
    %add3A_482 = arith.constant -2.09964776 : f32
    %add3A_483 = vector.broadcast %add3A_482 : f32 to vector<16xf32>
    %add3A_484 = arith.addf %mul3A_481, %add3A_483 : vector<16xf32>
    %add3A_485 = arith.addf %add3A_409, %add3A_484 : vector<16xf32>
    %add3A_486 = arith.addi %shift_right_logical3A_428, %shift_right_logical3A_439 : vector<16xi32>
    %add3A_487 = arith.addi %add3A_486, %shift_right_logical3A_451 : vector<16xi32>
    %add3A_488 = arith.addi %add3A_412, %add3A_487 : vector<16xi32>
    %get3A_489 = arith.constant 192 : index
    %get3A_490 = tpu.vector_load %arg5[%get3A_489] {strides = array<i32>} : memref<512xi32, #tpu.memory_space<vmem>>, vector<16xi32>,
    %add3A_491 = arith.constant 192 : i32
    %add3A_492 = vector.broadcast %add3A_491 : i32 to vector<16xi32>
    %add3A_493 = arith.addi %iota3A, %add3A_492 : vector<16xi32>
    %gather3A_494 = tpu.vector_load_idx %arg6[%add3A_493, %get3A_490] : memref<512x21xf32, #tpu.memory_space<vmem>>[vector<16xi32>, vector<16xi32>], vector<16xf32>,
    %get3A_495 = arith.constant 208 : index
    %get3A_496 = tpu.vector_load %arg5[%get3A_495] {strides = array<i32>} : memref<512xi32, #tpu.memory_space<vmem>>, vector<16xi32>,
    %add3A_497 = arith.constant 208 : i32
    %add3A_498 = vector.broadcast %add3A_497 : i32 to vector<16xi32>
    %add3A_499 = arith.addi %iota3A, %add3A_498 : vector<16xi32>
    %gather3A_500 = tpu.vector_load_idx %arg6[%add3A_499, %get3A_496] : memref<512x21xf32, #tpu.memory_space<vmem>>[vector<16xi32>, vector<16xi32>], vector<16xf32>,
    %bitcast3A_501 = vector.bitcast %gather3A_494 : vector<16xf32> to vector<16xi32>
    %shift_right_logical3A_502 = arith.constant 23 : i32
    %shift_right_logical3A_503 = vector.broadcast %shift_right_logical3A_502 : i32 to vector<16xi32>
    %shift_right_logical3A_504 = arith.shrui %bitcast3A_501, %shift_right_logical3A_503 : vector<16xi32>
    %and3A_505 = arith.constant 8388607 : i32
    %and3A_506 = vector.broadcast %and3A_505 : i32 to vector<16xi32>
    %and3A_507 = arith.andi %bitcast3A_501, %and3A_506 : vector<16xi32>
    %or3A_508 = arith.constant 1065353216 : i32
    %or3A_509 = vector.broadcast %or3A_508 : i32 to vector<16xi32>
    %or3A_510 = arith.ori %and3A_507, %or3A_509 : vector<16xi32>
    %bitcast3A_511 = vector.bitcast %or3A_510 : vector<16xi32> to vector<16xf32>
    %bitcast3A_512 = vector.bitcast %gather3A_500 : vector<16xf32> to vector<16xi32>
    %shift_right_logical3A_513 = arith.constant 23 : i32
    %shift_right_logical3A_514 = vector.broadcast %shift_right_logical3A_513 : i32 to vector<16xi32>
    %shift_right_logical3A_515 = arith.shrui %bitcast3A_512, %shift_right_logical3A_514 : vector<16xi32>
    %and3A_516 = arith.constant 8388607 : i32
    %and3A_517 = vector.broadcast %and3A_516 : i32 to vector<16xi32>
    %and3A_518 = arith.andi %bitcast3A_512, %and3A_517 : vector<16xi32>
    %or3A_519 = arith.constant 1065353216 : i32
    %or3A_520 = vector.broadcast %or3A_519 : i32 to vector<16xi32>
    %or3A_521 = arith.ori %and3A_518, %or3A_520 : vector<16xi32>
    %bitcast3A_522 = vector.bitcast %or3A_521 : vector<16xi32> to vector<16xf32>
    %mul3A_523 = arith.mulf %bitcast3A_511, %bitcast3A_522 : vector<16xf32>
    %bitcast3A_524 = vector.bitcast %mul3A_523 : vector<16xf32> to vector<16xi32>
    %shift_right_logical3A_525 = arith.constant 23 : i32
    %shift_right_logical3A_526 = vector.broadcast %shift_right_logical3A_525 : i32 to vector<16xi32>
    %shift_right_logical3A_527 = arith.shrui %bitcast3A_524, %shift_right_logical3A_526 : vector<16xi32>
    %and3A_528 = arith.constant 8388607 : i32
    %and3A_529 = vector.broadcast %and3A_528 : i32 to vector<16xi32>
    %and3A_530 = arith.andi %bitcast3A_524, %and3A_529 : vector<16xi32>
    %or3A_531 = arith.constant 1065353216 : i32
    %or3A_532 = vector.broadcast %or3A_531 : i32 to vector<16xi32>
    %or3A_533 = arith.ori %and3A_530, %or3A_532 : vector<16xi32>
    %bitcast3A_534 = vector.bitcast %or3A_533 : vector<16xi32> to vector<16xf32>
    %mul3A_535 = arith.constant -0.0170296114 : f32
    %mul3A_536 = vector.broadcast %mul3A_535 : f32 to vector<16xf32>
    %mul3A_537 = arith.mulf %mul3A_536, %bitcast3A_534 : vector<16xf32>
    %add3A_538 = arith.constant 0.183700845 : f32
    %add3A_539 = vector.broadcast %add3A_538 : f32 to vector<16xf32>
    %add3A_540 = arith.addf %mul3A_537, %add3A_539 : vector<16xf32>
    %mul3A_541 = arith.mulf %add3A_540, %bitcast3A_534 : vector<16xf32>
    %add3A_542 = arith.constant -0.85207957 : f32
    %add3A_543 = vector.broadcast %add3A_542 : f32 to vector<16xf32>
    %add3A_544 = arith.addf %mul3A_541, %add3A_543 : vector<16xf32>
    %mul3A_545 = arith.mulf %add3A_544, %bitcast3A_534 : vector<16xf32>
    %add3A_546 = arith.constant 2.22694349 : f32
    %add3A_547 = vector.broadcast %add3A_546 : f32 to vector<16xf32>
    %add3A_548 = arith.addf %mul3A_545, %add3A_547 : vector<16xf32>
    %mul3A_549 = arith.mulf %add3A_548, %bitcast3A_534 : vector<16xf32>
    %add3A_550 = arith.constant -3.64712048 : f32
    %add3A_551 = vector.broadcast %add3A_550 : f32 to vector<16xf32>
    %add3A_552 = arith.addf %mul3A_549, %add3A_551 : vector<16xf32>
    %mul3A_553 = arith.mulf %add3A_552, %bitcast3A_534 : vector<16xf32>
    %add3A_554 = arith.constant 4.205235 : f32
    %add3A_555 = vector.broadcast %add3A_554 : f32 to vector<16xf32>
    %add3A_556 = arith.addf %mul3A_553, %add3A_555 : vector<16xf32>
    %mul3A_557 = arith.mulf %add3A_556, %bitcast3A_534 : vector<16xf32>
    %add3A_558 = arith.constant -2.09964776 : f32
    %add3A_559 = vector.broadcast %add3A_558 : f32 to vector<16xf32>
    %add3A_560 = arith.addf %mul3A_557, %add3A_559 : vector<16xf32>
    %add3A_561 = arith.addf %add3A_485, %add3A_560 : vector<16xf32>
    %add3A_562 = arith.addi %shift_right_logical3A_504, %shift_right_logical3A_515 : vector<16xi32>
    %add3A_563 = arith.addi %add3A_562, %shift_right_logical3A_527 : vector<16xi32>
    %add3A_564 = arith.addi %add3A_488, %add3A_563 : vector<16xi32>
    %get3A_565 = arith.constant 224 : index
    %get3A_566 = tpu.vector_load %arg5[%get3A_565] {strides = array<i32>} : memref<512xi32, #tpu.memory_space<vmem>>, vector<16xi32>,
    %add3A_567 = arith.constant 224 : i32
    %add3A_568 = vector.broadcast %add3A_567 : i32 to vector<16xi32>
    %add3A_569 = arith.addi %iota3A, %add3A_568 : vector<16xi32>
    %gather3A_570 = tpu.vector_load_idx %arg6[%add3A_569, %get3A_566] : memref<512x21xf32, #tpu.memory_space<vmem>>[vector<16xi32>, vector<16xi32>], vector<16xf32>,
    %get3A_571 = arith.constant 240 : index
    %get3A_572 = tpu.vector_load %arg5[%get3A_571] {strides = array<i32>} : memref<512xi32, #tpu.memory_space<vmem>>, vector<16xi32>,
    %add3A_573 = arith.constant 240 : i32
    %add3A_574 = vector.broadcast %add3A_573 : i32 to vector<16xi32>
    %add3A_575 = arith.addi %iota3A, %add3A_574 : vector<16xi32>
    %gather3A_576 = tpu.vector_load_idx %arg6[%add3A_575, %get3A_572] : memref<512x21xf32, #tpu.memory_space<vmem>>[vector<16xi32>, vector<16xi32>], vector<16xf32>,
    %bitcast3A_577 = vector.bitcast %gather3A_570 : vector<16xf32> to vector<16xi32>
    %shift_right_logical3A_578 = arith.constant 23 : i32
    %shift_right_logical3A_579 = vector.broadcast %shift_right_logical3A_578 : i32 to vector<16xi32>
    %shift_right_logical3A_580 = arith.shrui %bitcast3A_577, %shift_right_logical3A_579 : vector<16xi32>
    %and3A_581 = arith.constant 8388607 : i32
    %and3A_582 = vector.broadcast %and3A_581 : i32 to vector<16xi32>
    %and3A_583 = arith.andi %bitcast3A_577, %and3A_582 : vector<16xi32>
    %or3A_584 = arith.constant 1065353216 : i32
    %or3A_585 = vector.broadcast %or3A_584 : i32 to vector<16xi32>
    %or3A_586 = arith.ori %and3A_583, %or3A_585 : vector<16xi32>
    %bitcast3A_587 = vector.bitcast %or3A_586 : vector<16xi32> to vector<16xf32>
    %bitcast3A_588 = vector.bitcast %gather3A_576 : vector<16xf32> to vector<16xi32>
    %shift_right_logical3A_589 = arith.constant 23 : i32
    %shift_right_logical3A_590 = vector.broadcast %shift_right_logical3A_589 : i32 to vector<16xi32>
    %shift_right_logical3A_591 = arith.shrui %bitcast3A_588, %shift_right_logical3A_590 : vector<16xi32>
    %and3A_592 = arith.constant 8388607 : i32
    %and3A_593 = vector.broadcast %and3A_592 : i32 to vector<16xi32>
    %and3A_594 = arith.andi %bitcast3A_588, %and3A_593 : vector<16xi32>
    %or3A_595 = arith.constant 1065353216 : i32
    %or3A_596 = vector.broadcast %or3A_595 : i32 to vector<16xi32>
    %or3A_597 = arith.ori %and3A_594, %or3A_596 : vector<16xi32>
    %bitcast3A_598 = vector.bitcast %or3A_597 : vector<16xi32> to vector<16xf32>
    %mul3A_599 = arith.mulf %bitcast3A_587, %bitcast3A_598 : vector<16xf32>
    %bitcast3A_600 = vector.bitcast %mul3A_599 : vector<16xf32> to vector<16xi32>
    %shift_right_logical3A_601 = arith.constant 23 : i32
    %shift_right_logical3A_602 = vector.broadcast %shift_right_logical3A_601 : i32 to vector<16xi32>
    %shift_right_logical3A_603 = arith.shrui %bitcast3A_600, %shift_right_logical3A_602 : vector<16xi32>
    %and3A_604 = arith.constant 8388607 : i32
    %and3A_605 = vector.broadcast %and3A_604 : i32 to vector<16xi32>
    %and3A_606 = arith.andi %bitcast3A_600, %and3A_605 : vector<16xi32>
    %or3A_607 = arith.constant 1065353216 : i32
    %or3A_608 = vector.broadcast %or3A_607 : i32 to vector<16xi32>
    %or3A_609 = arith.ori %and3A_606, %or3A_608 : vector<16xi32>
    %bitcast3A_610 = vector.bitcast %or3A_609 : vector<16xi32> to vector<16xf32>
    %mul3A_611 = arith.constant -0.0170296114 : f32
    %mul3A_612 = vector.broadcast %mul3A_611 : f32 to vector<16xf32>
    %mul3A_613 = arith.mulf %mul3A_612, %bitcast3A_610 : vector<16xf32>
    %add3A_614 = arith.constant 0.183700845 : f32
    %add3A_615 = vector.broadcast %add3A_614 : f32 to vector<16xf32>
    %add3A_616 = arith.addf %mul3A_613, %add3A_615 : vector<16xf32>
    %mul3A_617 = arith.mulf %add3A_616, %bitcast3A_610 : vector<16xf32>
    %add3A_618 = arith.constant -0.85207957 : f32
    %add3A_619 = vector.broadcast %add3A_618 : f32 to vector<16xf32>
    %add3A_620 = arith.addf %mul3A_617, %add3A_619 : vector<16xf32>
    %mul3A_621 = arith.mulf %add3A_620, %bitcast3A_610 : vector<16xf32>
    %add3A_622 = arith.constant 2.22694349 : f32
    %add3A_623 = vector.broadcast %add3A_622 : f32 to vector<16xf32>
    %add3A_624 = arith.addf %mul3A_621, %add3A_623 : vector<16xf32>
    %mul3A_625 = arith.mulf %add3A_624, %bitcast3A_610 : vector<16xf32>
    %add3A_626 = arith.constant -3.64712048 : f32
    %add3A_627 = vector.broadcast %add3A_626 : f32 to vector<16xf32>
    %add3A_628 = arith.addf %mul3A_625, %add3A_627 : vector<16xf32>
    %mul3A_629 = arith.mulf %add3A_628, %bitcast3A_610 : vector<16xf32>
    %add3A_630 = arith.constant 4.205235 : f32
    %add3A_631 = vector.broadcast %add3A_630 : f32 to vector<16xf32>
    %add3A_632 = arith.addf %mul3A_629, %add3A_631 : vector<16xf32>
    %mul3A_633 = arith.mulf %add3A_632, %bitcast3A_610 : vector<16xf32>
    %add3A_634 = arith.constant -2.09964776 : f32
    %add3A_635 = vector.broadcast %add3A_634 : f32 to vector<16xf32>
    %add3A_636 = arith.addf %mul3A_633, %add3A_635 : vector<16xf32>
    %add3A_637 = arith.addf %add3A_561, %add3A_636 : vector<16xf32>
    %add3A_638 = arith.addi %shift_right_logical3A_580, %shift_right_logical3A_591 : vector<16xi32>
    %add3A_639 = arith.addi %add3A_638, %shift_right_logical3A_603 : vector<16xi32>
    %add3A_640 = arith.addi %add3A_564, %add3A_639 : vector<16xi32>
    %dma_wait3A_641 = arith.constant 256 : i32
    %dma_wait3A_642 = arith.constant 0 : i32
    %dma_wait3A_643 = tpu.memref_slice %arg6[%dma_wait3A_641, %dma_wait3A_642] : memref<512x21xf32, #tpu.memory_space<vmem>> -> memref<256x21xf32, #tpu.memory_space<vmem>>
    %dma_wait3A_644 = arith.constant 0 : i32
    %dma_wait3A_645 = tpu.memref_slice %arg3[%add3A_14, %dma_wait3A_644] : memref<8192x21xf32, #tpu.memory_space<hbm>> -> memref<256x21xf32, #tpu.memory_space<hbm>>
    %dma_wait3A_646 = arith.constant 256 : i32
    %dma_wait3A_647 = arith.constant 0 : i32
    %dma_wait3A_648 = tpu.memref_slice %arg6[%dma_wait3A_646, %dma_wait3A_647] : memref<512x21xf32, #tpu.memory_space<vmem>> -> memref<256x21xf32, #tpu.memory_space<vmem>>
    %dma_wait3A_649 = arith.constant 0 : i32
    %dma_wait3A_650 = tpu.memref_slice %arg3[%add3A_14, %dma_wait3A_649] : memref<8192x21xf32, #tpu.memory_space<hbm>> -> memref<256x21xf32, #tpu.memory_space<hbm>>
    tpu.wait_dma2 semaphore(%arg13 : memref<!tpu.dma_semaphore, #tpu.memory_space<semaphore_mem>>) src(%dma_wait3A_650 : memref<256x21xf32, #tpu.memory_space<hbm>>) dst(%dma_wait3A_648 : memref<256x21xf32, #tpu.memory_space<vmem>>)
    %get3A_651 = arith.constant 256 : index
    %get3A_652 = tpu.vector_load %arg5[%get3A_651] {strides = array<i32>} : memref<512xi32, #tpu.memory_space<vmem>>, vector<16xi32>,
    %add3A_653 = arith.constant 256 : i32
    %add3A_654 = vector.broadcast %add3A_653 : i32 to vector<16xi32>
    %add3A_655 = arith.addi %iota3A, %add3A_654 : vector<16xi32>
    %gather3A_656 = tpu.vector_load_idx %arg6[%add3A_655, %get3A_652] : memref<512x21xf32, #tpu.memory_space<vmem>>[vector<16xi32>, vector<16xi32>], vector<16xf32>,
    %get3A_657 = arith.constant 272 : index
    %get3A_658 = tpu.vector_load %arg5[%get3A_657] {strides = array<i32>} : memref<512xi32, #tpu.memory_space<vmem>>, vector<16xi32>,
    %add3A_659 = arith.constant 272 : i32
    %add3A_660 = vector.broadcast %add3A_659 : i32 to vector<16xi32>
    %add3A_661 = arith.addi %iota3A, %add3A_660 : vector<16xi32>
    %gather3A_662 = tpu.vector_load_idx %arg6[%add3A_661, %get3A_658] : memref<512x21xf32, #tpu.memory_space<vmem>>[vector<16xi32>, vector<16xi32>], vector<16xf32>,
    %bitcast3A_663 = vector.bitcast %gather3A_656 : vector<16xf32> to vector<16xi32>
    %shift_right_logical3A_664 = arith.constant 23 : i32
    %shift_right_logical3A_665 = vector.broadcast %shift_right_logical3A_664 : i32 to vector<16xi32>
    %shift_right_logical3A_666 = arith.shrui %bitcast3A_663, %shift_right_logical3A_665 : vector<16xi32>
    %and3A_667 = arith.constant 8388607 : i32
    %and3A_668 = vector.broadcast %and3A_667 : i32 to vector<16xi32>
    %and3A_669 = arith.andi %bitcast3A_663, %and3A_668 : vector<16xi32>
    %or3A_670 = arith.constant 1065353216 : i32
    %or3A_671 = vector.broadcast %or3A_670 : i32 to vector<16xi32>
    %or3A_672 = arith.ori %and3A_669, %or3A_671 : vector<16xi32>
    %bitcast3A_673 = vector.bitcast %or3A_672 : vector<16xi32> to vector<16xf32>
    %bitcast3A_674 = vector.bitcast %gather3A_662 : vector<16xf32> to vector<16xi32>
    %shift_right_logical3A_675 = arith.constant 23 : i32
    %shift_right_logical3A_676 = vector.broadcast %shift_right_logical3A_675 : i32 to vector<16xi32>
    %shift_right_logical3A_677 = arith.shrui %bitcast3A_674, %shift_right_logical3A_676 : vector<16xi32>
    %and3A_678 = arith.constant 8388607 : i32
    %and3A_679 = vector.broadcast %and3A_678 : i32 to vector<16xi32>
    %and3A_680 = arith.andi %bitcast3A_674, %and3A_679 : vector<16xi32>
    %or3A_681 = arith.constant 1065353216 : i32
    %or3A_682 = vector.broadcast %or3A_681 : i32 to vector<16xi32>
    %or3A_683 = arith.ori %and3A_680, %or3A_682 : vector<16xi32>
    %bitcast3A_684 = vector.bitcast %or3A_683 : vector<16xi32> to vector<16xf32>
    %mul3A_685 = arith.mulf %bitcast3A_673, %bitcast3A_684 : vector<16xf32>
    %bitcast3A_686 = vector.bitcast %mul3A_685 : vector<16xf32> to vector<16xi32>
    %shift_right_logical3A_687 = arith.constant 23 : i32
    %shift_right_logical3A_688 = vector.broadcast %shift_right_logical3A_687 : i32 to vector<16xi32>
    %shift_right_logical3A_689 = arith.shrui %bitcast3A_686, %shift_right_logical3A_688 : vector<16xi32>
    %and3A_690 = arith.constant 8388607 : i32
    %and3A_691 = vector.broadcast %and3A_690 : i32 to vector<16xi32>
    %and3A_692 = arith.andi %bitcast3A_686, %and3A_691 : vector<16xi32>
    %or3A_693 = arith.constant 1065353216 : i32
    %or3A_694 = vector.broadcast %or3A_693 : i32 to vector<16xi32>
    %or3A_695 = arith.ori %and3A_692, %or3A_694 : vector<16xi32>
    %bitcast3A_696 = vector.bitcast %or3A_695 : vector<16xi32> to vector<16xf32>
    %mul3A_697 = arith.constant -0.0170296114 : f32
    %mul3A_698 = vector.broadcast %mul3A_697 : f32 to vector<16xf32>
    %mul3A_699 = arith.mulf %mul3A_698, %bitcast3A_696 : vector<16xf32>
    %add3A_700 = arith.constant 0.183700845 : f32
    %add3A_701 = vector.broadcast %add3A_700 : f32 to vector<16xf32>
    %add3A_702 = arith.addf %mul3A_699, %add3A_701 : vector<16xf32>
    %mul3A_703 = arith.mulf %add3A_702, %bitcast3A_696 : vector<16xf32>
    %add3A_704 = arith.constant -0.85207957 : f32
    %add3A_705 = vector.broadcast %add3A_704 : f32 to vector<16xf32>
    %add3A_706 = arith.addf %mul3A_703, %add3A_705 : vector<16xf32>
    %mul3A_707 = arith.mulf %add3A_706, %bitcast3A_696 : vector<16xf32>
    %add3A_708 = arith.constant 2.22694349 : f32
    %add3A_709 = vector.broadcast %add3A_708 : f32 to vector<16xf32>
    %add3A_710 = arith.addf %mul3A_707, %add3A_709 : vector<16xf32>
    %mul3A_711 = arith.mulf %add3A_710, %bitcast3A_696 : vector<16xf32>
    %add3A_712 = arith.constant -3.64712048 : f32
    %add3A_713 = vector.broadcast %add3A_712 : f32 to vector<16xf32>
    %add3A_714 = arith.addf %mul3A_711, %add3A_713 : vector<16xf32>
    %mul3A_715 = arith.mulf %add3A_714, %bitcast3A_696 : vector<16xf32>
    %add3A_716 = arith.constant 4.205235 : f32
    %add3A_717 = vector.broadcast %add3A_716 : f32 to vector<16xf32>
    %add3A_718 = arith.addf %mul3A_715, %add3A_717 : vector<16xf32>
    %mul3A_719 = arith.mulf %add3A_718, %bitcast3A_696 : vector<16xf32>
    %add3A_720 = arith.constant -2.09964776 : f32
    %add3A_721 = vector.broadcast %add3A_720 : f32 to vector<16xf32>
    %add3A_722 = arith.addf %mul3A_719, %add3A_721 : vector<16xf32>
    %add3A_723 = arith.addf %add3A_637, %add3A_722 : vector<16xf32>
    %add3A_724 = arith.addi %shift_right_logical3A_666, %shift_right_logical3A_677 : vector<16xi32>
    %add3A_725 = arith.addi %add3A_724, %shift_right_logical3A_689 : vector<16xi32>
    %add3A_726 = arith.addi %add3A_640, %add3A_725 : vector<16xi32>
    %get3A_727 = arith.constant 288 : index
    %get3A_728 = tpu.vector_load %arg5[%get3A_727] {strides = array<i32>} : memref<512xi32, #tpu.memory_space<vmem>>, vector<16xi32>,
    %add3A_729 = arith.constant 288 : i32
    %add3A_730 = vector.broadcast %add3A_729 : i32 to vector<16xi32>
    %add3A_731 = arith.addi %iota3A, %add3A_730 : vector<16xi32>
    %gather3A_732 = tpu.vector_load_idx %arg6[%add3A_731, %get3A_728] : memref<512x21xf32, #tpu.memory_space<vmem>>[vector<16xi32>, vector<16xi32>], vector<16xf32>,
    %get3A_733 = arith.constant 304 : index
    %get3A_734 = tpu.vector_load %arg5[%get3A_733] {strides = array<i32>} : memref<512xi32, #tpu.memory_space<vmem>>, vector<16xi32>,
    %add3A_735 = arith.constant 304 : i32
    %add3A_736 = vector.broadcast %add3A_735 : i32 to vector<16xi32>
    %add3A_737 = arith.addi %iota3A, %add3A_736 : vector<16xi32>
    %gather3A_738 = tpu.vector_load_idx %arg6[%add3A_737, %get3A_734] : memref<512x21xf32, #tpu.memory_space<vmem>>[vector<16xi32>, vector<16xi32>], vector<16xf32>,
    %bitcast3A_739 = vector.bitcast %gather3A_732 : vector<16xf32> to vector<16xi32>
    %shift_right_logical3A_740 = arith.constant 23 : i32
    %shift_right_logical3A_741 = vector.broadcast %shift_right_logical3A_740 : i32 to vector<16xi32>
    %shift_right_logical3A_742 = arith.shrui %bitcast3A_739, %shift_right_logical3A_741 : vector<16xi32>
    %and3A_743 = arith.constant 8388607 : i32
    %and3A_744 = vector.broadcast %and3A_743 : i32 to vector<16xi32>
    %and3A_745 = arith.andi %bitcast3A_739, %and3A_744 : vector<16xi32>
    %or3A_746 = arith.constant 1065353216 : i32
    %or3A_747 = vector.broadcast %or3A_746 : i32 to vector<16xi32>
    %or3A_748 = arith.ori %and3A_745, %or3A_747 : vector<16xi32>
    %bitcast3A_749 = vector.bitcast %or3A_748 : vector<16xi32> to vector<16xf32>
    %bitcast3A_750 = vector.bitcast %gather3A_738 : vector<16xf32> to vector<16xi32>
    %shift_right_logical3A_751 = arith.constant 23 : i32
    %shift_right_logical3A_752 = vector.broadcast %shift_right_logical3A_751 : i32 to vector<16xi32>
    %shift_right_logical3A_753 = arith.shrui %bitcast3A_750, %shift_right_logical3A_752 : vector<16xi32>
    %and3A_754 = arith.constant 8388607 : i32
    %and3A_755 = vector.broadcast %and3A_754 : i32 to vector<16xi32>
    %and3A_756 = arith.andi %bitcast3A_750, %and3A_755 : vector<16xi32>
    %or3A_757 = arith.constant 1065353216 : i32
    %or3A_758 = vector.broadcast %or3A_757 : i32 to vector<16xi32>
    %or3A_759 = arith.ori %and3A_756, %or3A_758 : vector<16xi32>
    %bitcast3A_760 = vector.bitcast %or3A_759 : vector<16xi32> to vector<16xf32>
    %mul3A_761 = arith.mulf %bitcast3A_749, %bitcast3A_760 : vector<16xf32>
    %bitcast3A_762 = vector.bitcast %mul3A_761 : vector<16xf32> to vector<16xi32>
    %shift_right_logical3A_763 = arith.constant 23 : i32
    %shift_right_logical3A_764 = vector.broadcast %shift_right_logical3A_763 : i32 to vector<16xi32>
    %shift_right_logical3A_765 = arith.shrui %bitcast3A_762, %shift_right_logical3A_764 : vector<16xi32>
    %and3A_766 = arith.constant 8388607 : i32
    %and3A_767 = vector.broadcast %and3A_766 : i32 to vector<16xi32>
    %and3A_768 = arith.andi %bitcast3A_762, %and3A_767 : vector<16xi32>
    %or3A_769 = arith.constant 1065353216 : i32
    %or3A_770 = vector.broadcast %or3A_769 : i32 to vector<16xi32>
    %or3A_771 = arith.ori %and3A_768, %or3A_770 : vector<16xi32>
    %bitcast3A_772 = vector.bitcast %or3A_771 : vector<16xi32> to vector<16xf32>
    %mul3A_773 = arith.constant -0.0170296114 : f32
    %mul3A_774 = vector.broadcast %mul3A_773 : f32 to vector<16xf32>
    %mul3A_775 = arith.mulf %mul3A_774, %bitcast3A_772 : vector<16xf32>
    %add3A_776 = arith.constant 0.183700845 : f32
    %add3A_777 = vector.broadcast %add3A_776 : f32 to vector<16xf32>
    %add3A_778 = arith.addf %mul3A_775, %add3A_777 : vector<16xf32>
    %mul3A_779 = arith.mulf %add3A_778, %bitcast3A_772 : vector<16xf32>
    %add3A_780 = arith.constant -0.85207957 : f32
    %add3A_781 = vector.broadcast %add3A_780 : f32 to vector<16xf32>
    %add3A_782 = arith.addf %mul3A_779, %add3A_781 : vector<16xf32>
    %mul3A_783 = arith.mulf %add3A_782, %bitcast3A_772 : vector<16xf32>
    %add3A_784 = arith.constant 2.22694349 : f32
    %add3A_785 = vector.broadcast %add3A_784 : f32 to vector<16xf32>
    %add3A_786 = arith.addf %mul3A_783, %add3A_785 : vector<16xf32>
    %mul3A_787 = arith.mulf %add3A_786, %bitcast3A_772 : vector<16xf32>
    %add3A_788 = arith.constant -3.64712048 : f32
    %add3A_789 = vector.broadcast %add3A_788 : f32 to vector<16xf32>
    %add3A_790 = arith.addf %mul3A_787, %add3A_789 : vector<16xf32>
    %mul3A_791 = arith.mulf %add3A_790, %bitcast3A_772 : vector<16xf32>
    %add3A_792 = arith.constant 4.205235 : f32
    %add3A_793 = vector.broadcast %add3A_792 : f32 to vector<16xf32>
    %add3A_794 = arith.addf %mul3A_791, %add3A_793 : vector<16xf32>
    %mul3A_795 = arith.mulf %add3A_794, %bitcast3A_772 : vector<16xf32>
    %add3A_796 = arith.constant -2.09964776 : f32
    %add3A_797 = vector.broadcast %add3A_796 : f32 to vector<16xf32>
    %add3A_798 = arith.addf %mul3A_795, %add3A_797 : vector<16xf32>
    %add3A_799 = arith.addf %add3A_723, %add3A_798 : vector<16xf32>
    %add3A_800 = arith.addi %shift_right_logical3A_742, %shift_right_logical3A_753 : vector<16xi32>
    %add3A_801 = arith.addi %add3A_800, %shift_right_logical3A_765 : vector<16xi32>
    %add3A_802 = arith.addi %add3A_726, %add3A_801 : vector<16xi32>
    %get3A_803 = arith.constant 320 : index
    %get3A_804 = tpu.vector_load %arg5[%get3A_803] {strides = array<i32>} : memref<512xi32, #tpu.memory_space<vmem>>, vector<16xi32>,
    %add3A_805 = arith.constant 320 : i32
    %add3A_806 = vector.broadcast %add3A_805 : i32 to vector<16xi32>
    %add3A_807 = arith.addi %iota3A, %add3A_806 : vector<16xi32>
    %gather3A_808 = tpu.vector_load_idx %arg6[%add3A_807, %get3A_804] : memref<512x21xf32, #tpu.memory_space<vmem>>[vector<16xi32>, vector<16xi32>], vector<16xf32>,
    %get3A_809 = arith.constant 336 : index
    %get3A_810 = tpu.vector_load %arg5[%get3A_809] {strides = array<i32>} : memref<512xi32, #tpu.memory_space<vmem>>, vector<16xi32>,
    %add3A_811 = arith.constant 336 : i32
    %add3A_812 = vector.broadcast %add3A_811 : i32 to vector<16xi32>
    %add3A_813 = arith.addi %iota3A, %add3A_812 : vector<16xi32>
    %gather3A_814 = tpu.vector_load_idx %arg6[%add3A_813, %get3A_810] : memref<512x21xf32, #tpu.memory_space<vmem>>[vector<16xi32>, vector<16xi32>], vector<16xf32>,
    %bitcast3A_815 = vector.bitcast %gather3A_808 : vector<16xf32> to vector<16xi32>
    %shift_right_logical3A_816 = arith.constant 23 : i32
    %shift_right_logical3A_817 = vector.broadcast %shift_right_logical3A_816 : i32 to vector<16xi32>
    %shift_right_logical3A_818 = arith.shrui %bitcast3A_815, %shift_right_logical3A_817 : vector<16xi32>
    %and3A_819 = arith.constant 8388607 : i32
    %and3A_820 = vector.broadcast %and3A_819 : i32 to vector<16xi32>
    %and3A_821 = arith.andi %bitcast3A_815, %and3A_820 : vector<16xi32>
    %or3A_822 = arith.constant 1065353216 : i32
    %or3A_823 = vector.broadcast %or3A_822 : i32 to vector<16xi32>
    %or3A_824 = arith.ori %and3A_821, %or3A_823 : vector<16xi32>
    %bitcast3A_825 = vector.bitcast %or3A_824 : vector<16xi32> to vector<16xf32>
    %bitcast3A_826 = vector.bitcast %gather3A_814 : vector<16xf32> to vector<16xi32>
    %shift_right_logical3A_827 = arith.constant 23 : i32
    %shift_right_logical3A_828 = vector.broadcast %shift_right_logical3A_827 : i32 to vector<16xi32>
    %shift_right_logical3A_829 = arith.shrui %bitcast3A_826, %shift_right_logical3A_828 : vector<16xi32>
    %and3A_830 = arith.constant 8388607 : i32
    %and3A_831 = vector.broadcast %and3A_830 : i32 to vector<16xi32>
    %and3A_832 = arith.andi %bitcast3A_826, %and3A_831 : vector<16xi32>
    %or3A_833 = arith.constant 1065353216 : i32
    %or3A_834 = vector.broadcast %or3A_833 : i32 to vector<16xi32>
    %or3A_835 = arith.ori %and3A_832, %or3A_834 : vector<16xi32>
    %bitcast3A_836 = vector.bitcast %or3A_835 : vector<16xi32> to vector<16xf32>
    %mul3A_837 = arith.mulf %bitcast3A_825, %bitcast3A_836 : vector<16xf32>
    %bitcast3A_838 = vector.bitcast %mul3A_837 : vector<16xf32> to vector<16xi32>
    %shift_right_logical3A_839 = arith.constant 23 : i32
    %shift_right_logical3A_840 = vector.broadcast %shift_right_logical3A_839 : i32 to vector<16xi32>
    %shift_right_logical3A_841 = arith.shrui %bitcast3A_838, %shift_right_logical3A_840 : vector<16xi32>
    %and3A_842 = arith.constant 8388607 : i32
    %and3A_843 = vector.broadcast %and3A_842 : i32 to vector<16xi32>
    %and3A_844 = arith.andi %bitcast3A_838, %and3A_843 : vector<16xi32>
    %or3A_845 = arith.constant 1065353216 : i32
    %or3A_846 = vector.broadcast %or3A_845 : i32 to vector<16xi32>
    %or3A_847 = arith.ori %and3A_844, %or3A_846 : vector<16xi32>
    %bitcast3A_848 = vector.bitcast %or3A_847 : vector<16xi32> to vector<16xf32>
    %mul3A_849 = arith.constant -0.0170296114 : f32
    %mul3A_850 = vector.broadcast %mul3A_849 : f32 to vector<16xf32>
    %mul3A_851 = arith.mulf %mul3A_850, %bitcast3A_848 : vector<16xf32>
    %add3A_852 = arith.constant 0.183700845 : f32
    %add3A_853 = vector.broadcast %add3A_852 : f32 to vector<16xf32>
    %add3A_854 = arith.addf %mul3A_851, %add3A_853 : vector<16xf32>
    %mul3A_855 = arith.mulf %add3A_854, %bitcast3A_848 : vector<16xf32>
    %add3A_856 = arith.constant -0.85207957 : f32
    %add3A_857 = vector.broadcast %add3A_856 : f32 to vector<16xf32>
    %add3A_858 = arith.addf %mul3A_855, %add3A_857 : vector<16xf32>
    %mul3A_859 = arith.mulf %add3A_858, %bitcast3A_848 : vector<16xf32>
    %add3A_860 = arith.constant 2.22694349 : f32
    %add3A_861 = vector.broadcast %add3A_860 : f32 to vector<16xf32>
    %add3A_862 = arith.addf %mul3A_859, %add3A_861 : vector<16xf32>
    %mul3A_863 = arith.mulf %add3A_862, %bitcast3A_848 : vector<16xf32>
    %add3A_864 = arith.constant -3.64712048 : f32
    %add3A_865 = vector.broadcast %add3A_864 : f32 to vector<16xf32>
    %add3A_866 = arith.addf %mul3A_863, %add3A_865 : vector<16xf32>
    %mul3A_867 = arith.mulf %add3A_866, %bitcast3A_848 : vector<16xf32>
    %add3A_868 = arith.constant 4.205235 : f32
    %add3A_869 = vector.broadcast %add3A_868 : f32 to vector<16xf32>
    %add3A_870 = arith.addf %mul3A_867, %add3A_869 : vector<16xf32>
    %mul3A_871 = arith.mulf %add3A_870, %bitcast3A_848 : vector<16xf32>
    %add3A_872 = arith.constant -2.09964776 : f32
    %add3A_873 = vector.broadcast %add3A_872 : f32 to vector<16xf32>
    %add3A_874 = arith.addf %mul3A_871, %add3A_873 : vector<16xf32>
    %add3A_875 = arith.addf %add3A_799, %add3A_874 : vector<16xf32>
    %add3A_876 = arith.addi %shift_right_logical3A_818, %shift_right_logical3A_829 : vector<16xi32>
    %add3A_877 = arith.addi %add3A_876, %shift_right_logical3A_841 : vector<16xi32>
    %add3A_878 = arith.addi %add3A_802, %add3A_877 : vector<16xi32>
    %get3A_879 = arith.constant 352 : index
    %get3A_880 = tpu.vector_load %arg5[%get3A_879] {strides = array<i32>} : memref<512xi32, #tpu.memory_space<vmem>>, vector<16xi32>,
    %add3A_881 = arith.constant 352 : i32
    %add3A_882 = vector.broadcast %add3A_881 : i32 to vector<16xi32>
    %add3A_883 = arith.addi %iota3A, %add3A_882 : vector<16xi32>
    %gather3A_884 = tpu.vector_load_idx %arg6[%add3A_883, %get3A_880] : memref<512x21xf32, #tpu.memory_space<vmem>>[vector<16xi32>, vector<16xi32>], vector<16xf32>,
    %get3A_885 = arith.constant 368 : index
    %get3A_886 = tpu.vector_load %arg5[%get3A_885] {strides = array<i32>} : memref<512xi32, #tpu.memory_space<vmem>>, vector<16xi32>,
    %add3A_887 = arith.constant 368 : i32
    %add3A_888 = vector.broadcast %add3A_887 : i32 to vector<16xi32>
    %add3A_889 = arith.addi %iota3A, %add3A_888 : vector<16xi32>
    %gather3A_890 = tpu.vector_load_idx %arg6[%add3A_889, %get3A_886] : memref<512x21xf32, #tpu.memory_space<vmem>>[vector<16xi32>, vector<16xi32>], vector<16xf32>,
    %bitcast3A_891 = vector.bitcast %gather3A_884 : vector<16xf32> to vector<16xi32>
    %shift_right_logical3A_892 = arith.constant 23 : i32
    %shift_right_logical3A_893 = vector.broadcast %shift_right_logical3A_892 : i32 to vector<16xi32>
    %shift_right_logical3A_894 = arith.shrui %bitcast3A_891, %shift_right_logical3A_893 : vector<16xi32>
    %and3A_895 = arith.constant 8388607 : i32
    %and3A_896 = vector.broadcast %and3A_895 : i32 to vector<16xi32>
    %and3A_897 = arith.andi %bitcast3A_891, %and3A_896 : vector<16xi32>
    %or3A_898 = arith.constant 1065353216 : i32
    %or3A_899 = vector.broadcast %or3A_898 : i32 to vector<16xi32>
    %or3A_900 = arith.ori %and3A_897, %or3A_899 : vector<16xi32>
    %bitcast3A_901 = vector.bitcast %or3A_900 : vector<16xi32> to vector<16xf32>
    %bitcast3A_902 = vector.bitcast %gather3A_890 : vector<16xf32> to vector<16xi32>
    %shift_right_logical3A_903 = arith.constant 23 : i32
    %shift_right_logical3A_904 = vector.broadcast %shift_right_logical3A_903 : i32 to vector<16xi32>
    %shift_right_logical3A_905 = arith.shrui %bitcast3A_902, %shift_right_logical3A_904 : vector<16xi32>
    %and3A_906 = arith.constant 8388607 : i32
    %and3A_907 = vector.broadcast %and3A_906 : i32 to vector<16xi32>
    %and3A_908 = arith.andi %bitcast3A_902, %and3A_907 : vector<16xi32>
    %or3A_909 = arith.constant 1065353216 : i32
    %or3A_910 = vector.broadcast %or3A_909 : i32 to vector<16xi32>
    %or3A_911 = arith.ori %and3A_908, %or3A_910 : vector<16xi32>
    %bitcast3A_912 = vector.bitcast %or3A_911 : vector<16xi32> to vector<16xf32>
    %mul3A_913 = arith.mulf %bitcast3A_901, %bitcast3A_912 : vector<16xf32>
    %bitcast3A_914 = vector.bitcast %mul3A_913 : vector<16xf32> to vector<16xi32>
    %shift_right_logical3A_915 = arith.constant 23 : i32
    %shift_right_logical3A_916 = vector.broadcast %shift_right_logical3A_915 : i32 to vector<16xi32>
    %shift_right_logical3A_917 = arith.shrui %bitcast3A_914, %shift_right_logical3A_916 : vector<16xi32>
    %and3A_918 = arith.constant 8388607 : i32
    %and3A_919 = vector.broadcast %and3A_918 : i32 to vector<16xi32>
    %and3A_920 = arith.andi %bitcast3A_914, %and3A_919 : vector<16xi32>
    %or3A_921 = arith.constant 1065353216 : i32
    %or3A_922 = vector.broadcast %or3A_921 : i32 to vector<16xi32>
    %or3A_923 = arith.ori %and3A_920, %or3A_922 : vector<16xi32>
    %bitcast3A_924 = vector.bitcast %or3A_923 : vector<16xi32> to vector<16xf32>
    %mul3A_925 = arith.constant -0.0170296114 : f32
    %mul3A_926 = vector.broadcast %mul3A_925 : f32 to vector<16xf32>
    %mul3A_927 = arith.mulf %mul3A_926, %bitcast3A_924 : vector<16xf32>
    %add3A_928 = arith.constant 0.183700845 : f32
    %add3A_929 = vector.broadcast %add3A_928 : f32 to vector<16xf32>
    %add3A_930 = arith.addf %mul3A_927, %add3A_929 : vector<16xf32>
    %mul3A_931 = arith.mulf %add3A_930, %bitcast3A_924 : vector<16xf32>
    %add3A_932 = arith.constant -0.85207957 : f32
    %add3A_933 = vector.broadcast %add3A_932 : f32 to vector<16xf32>
    %add3A_934 = arith.addf %mul3A_931, %add3A_933 : vector<16xf32>
    %mul3A_935 = arith.mulf %add3A_934, %bitcast3A_924 : vector<16xf32>
    %add3A_936 = arith.constant 2.22694349 : f32
    %add3A_937 = vector.broadcast %add3A_936 : f32 to vector<16xf32>
    %add3A_938 = arith.addf %mul3A_935, %add3A_937 : vector<16xf32>
    %mul3A_939 = arith.mulf %add3A_938, %bitcast3A_924 : vector<16xf32>
    %add3A_940 = arith.constant -3.64712048 : f32
    %add3A_941 = vector.broadcast %add3A_940 : f32 to vector<16xf32>
    %add3A_942 = arith.addf %mul3A_939, %add3A_941 : vector<16xf32>
    %mul3A_943 = arith.mulf %add3A_942, %bitcast3A_924 : vector<16xf32>
    %add3A_944 = arith.constant 4.205235 : f32
    %add3A_945 = vector.broadcast %add3A_944 : f32 to vector<16xf32>
    %add3A_946 = arith.addf %mul3A_943, %add3A_945 : vector<16xf32>
    %mul3A_947 = arith.mulf %add3A_946, %bitcast3A_924 : vector<16xf32>
    %add3A_948 = arith.constant -2.09964776 : f32
    %add3A_949 = vector.broadcast %add3A_948 : f32 to vector<16xf32>
    %add3A_950 = arith.addf %mul3A_947, %add3A_949 : vector<16xf32>
    %add3A_951 = arith.addf %add3A_875, %add3A_950 : vector<16xf32>
    %add3A_952 = arith.addi %shift_right_logical3A_894, %shift_right_logical3A_905 : vector<16xi32>
    %add3A_953 = arith.addi %add3A_952, %shift_right_logical3A_917 : vector<16xi32>
    %add3A_954 = arith.addi %add3A_878, %add3A_953 : vector<16xi32>
    %get3A_955 = arith.constant 384 : index
    %get3A_956 = tpu.vector_load %arg5[%get3A_955] {strides = array<i32>} : memref<512xi32, #tpu.memory_space<vmem>>, vector<16xi32>,
    %add3A_957 = arith.constant 384 : i32
    %add3A_958 = vector.broadcast %add3A_957 : i32 to vector<16xi32>
    %add3A_959 = arith.addi %iota3A, %add3A_958 : vector<16xi32>
    %gather3A_960 = tpu.vector_load_idx %arg6[%add3A_959, %get3A_956] : memref<512x21xf32, #tpu.memory_space<vmem>>[vector<16xi32>, vector<16xi32>], vector<16xf32>,
    %get3A_961 = arith.constant 400 : index
    %get3A_962 = tpu.vector_load %arg5[%get3A_961] {strides = array<i32>} : memref<512xi32, #tpu.memory_space<vmem>>, vector<16xi32>,
    %add3A_963 = arith.constant 400 : i32
    %add3A_964 = vector.broadcast %add3A_963 : i32 to vector<16xi32>
    %add3A_965 = arith.addi %iota3A, %add3A_964 : vector<16xi32>
    %gather3A_966 = tpu.vector_load_idx %arg6[%add3A_965, %get3A_962] : memref<512x21xf32, #tpu.memory_space<vmem>>[vector<16xi32>, vector<16xi32>], vector<16xf32>,
    %bitcast3A_967 = vector.bitcast %gather3A_960 : vector<16xf32> to vector<16xi32>
    %shift_right_logical3A_968 = arith.constant 23 : i32
    %shift_right_logical3A_969 = vector.broadcast %shift_right_logical3A_968 : i32 to vector<16xi32>
    %shift_right_logical3A_970 = arith.shrui %bitcast3A_967, %shift_right_logical3A_969 : vector<16xi32>
    %and3A_971 = arith.constant 8388607 : i32
    %and3A_972 = vector.broadcast %and3A_971 : i32 to vector<16xi32>
    %and3A_973 = arith.andi %bitcast3A_967, %and3A_972 : vector<16xi32>
    %or3A_974 = arith.constant 1065353216 : i32
    %or3A_975 = vector.broadcast %or3A_974 : i32 to vector<16xi32>
    %or3A_976 = arith.ori %and3A_973, %or3A_975 : vector<16xi32>
    %bitcast3A_977 = vector.bitcast %or3A_976 : vector<16xi32> to vector<16xf32>
    %bitcast3A_978 = vector.bitcast %gather3A_966 : vector<16xf32> to vector<16xi32>
    %shift_right_logical3A_979 = arith.constant 23 : i32
    %shift_right_logical3A_980 = vector.broadcast %shift_right_logical3A_979 : i32 to vector<16xi32>
    %shift_right_logical3A_981 = arith.shrui %bitcast3A_978, %shift_right_logical3A_980 : vector<16xi32>
    %and3A_982 = arith.constant 8388607 : i32
    %and3A_983 = vector.broadcast %and3A_982 : i32 to vector<16xi32>
    %and3A_984 = arith.andi %bitcast3A_978, %and3A_983 : vector<16xi32>
    %or3A_985 = arith.constant 1065353216 : i32
    %or3A_986 = vector.broadcast %or3A_985 : i32 to vector<16xi32>
    %or3A_987 = arith.ori %and3A_984, %or3A_986 : vector<16xi32>
    %bitcast3A_988 = vector.bitcast %or3A_987 : vector<16xi32> to vector<16xf32>
    %mul3A_989 = arith.mulf %bitcast3A_977, %bitcast3A_988 : vector<16xf32>
    %bitcast3A_990 = vector.bitcast %mul3A_989 : vector<16xf32> to vector<16xi32>
    %shift_right_logical3A_991 = arith.constant 23 : i32
    %shift_right_logical3A_992 = vector.broadcast %shift_right_logical3A_991 : i32 to vector<16xi32>
    %shift_right_logical3A_993 = arith.shrui %bitcast3A_990, %shift_right_logical3A_992 : vector<16xi32>
    %and3A_994 = arith.constant 8388607 : i32
    %and3A_995 = vector.broadcast %and3A_994 : i32 to vector<16xi32>
    %and3A_996 = arith.andi %bitcast3A_990, %and3A_995 : vector<16xi32>
    %or3A_997 = arith.constant 1065353216 : i32
    %or3A_998 = vector.broadcast %or3A_997 : i32 to vector<16xi32>
    %or3A_999 = arith.ori %and3A_996, %or3A_998 : vector<16xi32>
    %bitcast3A_1000 = vector.bitcast %or3A_999 : vector<16xi32> to vector<16xf32>
    %mul3A_1001 = arith.constant -0.0170296114 : f32
    %mul3A_1002 = vector.broadcast %mul3A_1001 : f32 to vector<16xf32>
    %mul3A_1003 = arith.mulf %mul3A_1002, %bitcast3A_1000 : vector<16xf32>
    %add3A_1004 = arith.constant 0.183700845 : f32
    %add3A_1005 = vector.broadcast %add3A_1004 : f32 to vector<16xf32>
    %add3A_1006 = arith.addf %mul3A_1003, %add3A_1005 : vector<16xf32>
    %mul3A_1007 = arith.mulf %add3A_1006, %bitcast3A_1000 : vector<16xf32>
    %add3A_1008 = arith.constant -0.85207957 : f32
    %add3A_1009 = vector.broadcast %add3A_1008 : f32 to vector<16xf32>
    %add3A_1010 = arith.addf %mul3A_1007, %add3A_1009 : vector<16xf32>
    %mul3A_1011 = arith.mulf %add3A_1010, %bitcast3A_1000 : vector<16xf32>
    %add3A_1012 = arith.constant 2.22694349 : f32
    %add3A_1013 = vector.broadcast %add3A_1012 : f32 to vector<16xf32>
    %add3A_1014 = arith.addf %mul3A_1011, %add3A_1013 : vector<16xf32>
    %mul3A_1015 = arith.mulf %add3A_1014, %bitcast3A_1000 : vector<16xf32>
    %add3A_1016 = arith.constant -3.64712048 : f32
    %add3A_1017 = vector.broadcast %add3A_1016 : f32 to vector<16xf32>
    %add3A_1018 = arith.addf %mul3A_1015, %add3A_1017 : vector<16xf32>
    %mul3A_1019 = arith.mulf %add3A_1018, %bitcast3A_1000 : vector<16xf32>
    %add3A_1020 = arith.constant 4.205235 : f32
    %add3A_1021 = vector.broadcast %add3A_1020 : f32 to vector<16xf32>
    %add3A_1022 = arith.addf %mul3A_1019, %add3A_1021 : vector<16xf32>
    %mul3A_1023 = arith.mulf %add3A_1022, %bitcast3A_1000 : vector<16xf32>
    %add3A_1024 = arith.constant -2.09964776 : f32
    %add3A_1025 = vector.broadcast %add3A_1024 : f32 to vector<16xf32>
    %add3A_1026 = arith.addf %mul3A_1023, %add3A_1025 : vector<16xf32>
    %add3A_1027 = arith.addf %add3A_951, %add3A_1026 : vector<16xf32>
    %add3A_1028 = arith.addi %shift_right_logical3A_970, %shift_right_logical3A_981 : vector<16xi32>
    %add3A_1029 = arith.addi %add3A_1028, %shift_right_logical3A_993 : vector<16xi32>
    %add3A_1030 = arith.addi %add3A_954, %add3A_1029 : vector<16xi32>
    %get3A_1031 = arith.constant 416 : index
    %get3A_1032 = tpu.vector_load %arg5[%get3A_1031] {strides = array<i32>} : memref<512xi32, #tpu.memory_space<vmem>>, vector<16xi32>,
    %add3A_1033 = arith.constant 416 : i32
    %add3A_1034 = vector.broadcast %add3A_1033 : i32 to vector<16xi32>
    %add3A_1035 = arith.addi %iota3A, %add3A_1034 : vector<16xi32>
    %gather3A_1036 = tpu.vector_load_idx %arg6[%add3A_1035, %get3A_1032] : memref<512x21xf32, #tpu.memory_space<vmem>>[vector<16xi32>, vector<16xi32>], vector<16xf32>,
    %get3A_1037 = arith.constant 432 : index
    %get3A_1038 = tpu.vector_load %arg5[%get3A_1037] {strides = array<i32>} : memref<512xi32, #tpu.memory_space<vmem>>, vector<16xi32>,
    %add3A_1039 = arith.constant 432 : i32
    %add3A_1040 = vector.broadcast %add3A_1039 : i32 to vector<16xi32>
    %add3A_1041 = arith.addi %iota3A, %add3A_1040 : vector<16xi32>
    %gather3A_1042 = tpu.vector_load_idx %arg6[%add3A_1041, %get3A_1038] : memref<512x21xf32, #tpu.memory_space<vmem>>[vector<16xi32>, vector<16xi32>], vector<16xf32>,
    %bitcast3A_1043 = vector.bitcast %gather3A_1036 : vector<16xf32> to vector<16xi32>
    %shift_right_logical3A_1044 = arith.constant 23 : i32
    %shift_right_logical3A_1045 = vector.broadcast %shift_right_logical3A_1044 : i32 to vector<16xi32>
    %shift_right_logical3A_1046 = arith.shrui %bitcast3A_1043, %shift_right_logical3A_1045 : vector<16xi32>
    %and3A_1047 = arith.constant 8388607 : i32
    %and3A_1048 = vector.broadcast %and3A_1047 : i32 to vector<16xi32>
    %and3A_1049 = arith.andi %bitcast3A_1043, %and3A_1048 : vector<16xi32>
    %or3A_1050 = arith.constant 1065353216 : i32
    %or3A_1051 = vector.broadcast %or3A_1050 : i32 to vector<16xi32>
    %or3A_1052 = arith.ori %and3A_1049, %or3A_1051 : vector<16xi32>
    %bitcast3A_1053 = vector.bitcast %or3A_1052 : vector<16xi32> to vector<16xf32>
    %bitcast3A_1054 = vector.bitcast %gather3A_1042 : vector<16xf32> to vector<16xi32>
    %shift_right_logical3A_1055 = arith.constant 23 : i32
    %shift_right_logical3A_1056 = vector.broadcast %shift_right_logical3A_1055 : i32 to vector<16xi32>
    %shift_right_logical3A_1057 = arith.shrui %bitcast3A_1054, %shift_right_logical3A_1056 : vector<16xi32>
    %and3A_1058 = arith.constant 8388607 : i32
    %and3A_1059 = vector.broadcast %and3A_1058 : i32 to vector<16xi32>
    %and3A_1060 = arith.andi %bitcast3A_1054, %and3A_1059 : vector<16xi32>
    %or3A_1061 = arith.constant 1065353216 : i32
    %or3A_1062 = vector.broadcast %or3A_1061 : i32 to vector<16xi32>
    %or3A_1063 = arith.ori %and3A_1060, %or3A_1062 : vector<16xi32>
    %bitcast3A_1064 = vector.bitcast %or3A_1063 : vector<16xi32> to vector<16xf32>
    %mul3A_1065 = arith.mulf %bitcast3A_1053, %bitcast3A_1064 : vector<16xf32>
    %bitcast3A_1066 = vector.bitcast %mul3A_1065 : vector<16xf32> to vector<16xi32>
    %shift_right_logical3A_1067 = arith.constant 23 : i32
    %shift_right_logical3A_1068 = vector.broadcast %shift_right_logical3A_1067 : i32 to vector<16xi32>
    %shift_right_logical3A_1069 = arith.shrui %bitcast3A_1066, %shift_right_logical3A_1068 : vector<16xi32>
    %and3A_1070 = arith.constant 8388607 : i32
    %and3A_1071 = vector.broadcast %and3A_1070 : i32 to vector<16xi32>
    %and3A_1072 = arith.andi %bitcast3A_1066, %and3A_1071 : vector<16xi32>
    %or3A_1073 = arith.constant 1065353216 : i32
    %or3A_1074 = vector.broadcast %or3A_1073 : i32 to vector<16xi32>
    %or3A_1075 = arith.ori %and3A_1072, %or3A_1074 : vector<16xi32>
    %bitcast3A_1076 = vector.bitcast %or3A_1075 : vector<16xi32> to vector<16xf32>
    %mul3A_1077 = arith.constant -0.0170296114 : f32
    %mul3A_1078 = vector.broadcast %mul3A_1077 : f32 to vector<16xf32>
    %mul3A_1079 = arith.mulf %mul3A_1078, %bitcast3A_1076 : vector<16xf32>
    %add3A_1080 = arith.constant 0.183700845 : f32
    %add3A_1081 = vector.broadcast %add3A_1080 : f32 to vector<16xf32>
    %add3A_1082 = arith.addf %mul3A_1079, %add3A_1081 : vector<16xf32>
    %mul3A_1083 = arith.mulf %add3A_1082, %bitcast3A_1076 : vector<16xf32>
    %add3A_1084 = arith.constant -0.85207957 : f32
    %add3A_1085 = vector.broadcast %add3A_1084 : f32 to vector<16xf32>
    %add3A_1086 = arith.addf %mul3A_1083, %add3A_1085 : vector<16xf32>
    %mul3A_1087 = arith.mulf %add3A_1086, %bitcast3A_1076 : vector<16xf32>
    %add3A_1088 = arith.constant 2.22694349 : f32
    %add3A_1089 = vector.broadcast %add3A_1088 : f32 to vector<16xf32>
    %add3A_1090 = arith.addf %mul3A_1087, %add3A_1089 : vector<16xf32>
    %mul3A_1091 = arith.mulf %add3A_1090, %bitcast3A_1076 : vector<16xf32>
    %add3A_1092 = arith.constant -3.64712048 : f32
    %add3A_1093 = vector.broadcast %add3A_1092 : f32 to vector<16xf32>
    %add3A_1094 = arith.addf %mul3A_1091, %add3A_1093 : vector<16xf32>
    %mul3A_1095 = arith.mulf %add3A_1094, %bitcast3A_1076 : vector<16xf32>
    %add3A_1096 = arith.constant 4.205235 : f32
    %add3A_1097 = vector.broadcast %add3A_1096 : f32 to vector<16xf32>
    %add3A_1098 = arith.addf %mul3A_1095, %add3A_1097 : vector<16xf32>
    %mul3A_1099 = arith.mulf %add3A_1098, %bitcast3A_1076 : vector<16xf32>
    %add3A_1100 = arith.constant -2.09964776 : f32
    %add3A_1101 = vector.broadcast %add3A_1100 : f32 to vector<16xf32>
    %add3A_1102 = arith.addf %mul3A_1099, %add3A_1101 : vector<16xf32>
    %add3A_1103 = arith.addf %add3A_1027, %add3A_1102 : vector<16xf32>
    %add3A_1104 = arith.addi %shift_right_logical3A_1046, %shift_right_logical3A_1057 : vector<16xi32>
    %add3A_1105 = arith.addi %add3A_1104, %shift_right_logical3A_1069 : vector<16xi32>
    %add3A_1106 = arith.addi %add3A_1030, %add3A_1105 : vector<16xi32>
    %get3A_1107 = arith.constant 448 : index
    %get3A_1108 = tpu.vector_load %arg5[%get3A_1107] {strides = array<i32>} : memref<512xi32, #tpu.memory_space<vmem>>, vector<16xi32>,
    %add3A_1109 = arith.constant 448 : i32
    %add3A_1110 = vector.broadcast %add3A_1109 : i32 to vector<16xi32>
    %add3A_1111 = arith.addi %iota3A, %add3A_1110 : vector<16xi32>
    %gather3A_1112 = tpu.vector_load_idx %arg6[%add3A_1111, %get3A_1108] : memref<512x21xf32, #tpu.memory_space<vmem>>[vector<16xi32>, vector<16xi32>], vector<16xf32>,
    %get3A_1113 = arith.constant 464 : index
    %get3A_1114 = tpu.vector_load %arg5[%get3A_1113] {strides = array<i32>} : memref<512xi32, #tpu.memory_space<vmem>>, vector<16xi32>,
    %add3A_1115 = arith.constant 464 : i32
    %add3A_1116 = vector.broadcast %add3A_1115 : i32 to vector<16xi32>
    %add3A_1117 = arith.addi %iota3A, %add3A_1116 : vector<16xi32>
    %gather3A_1118 = tpu.vector_load_idx %arg6[%add3A_1117, %get3A_1114] : memref<512x21xf32, #tpu.memory_space<vmem>>[vector<16xi32>, vector<16xi32>], vector<16xf32>,
    %bitcast3A_1119 = vector.bitcast %gather3A_1112 : vector<16xf32> to vector<16xi32>
    %shift_right_logical3A_1120 = arith.constant 23 : i32
    %shift_right_logical3A_1121 = vector.broadcast %shift_right_logical3A_1120 : i32 to vector<16xi32>
    %shift_right_logical3A_1122 = arith.shrui %bitcast3A_1119, %shift_right_logical3A_1121 : vector<16xi32>
    %and3A_1123 = arith.constant 8388607 : i32
    %and3A_1124 = vector.broadcast %and3A_1123 : i32 to vector<16xi32>
    %and3A_1125 = arith.andi %bitcast3A_1119, %and3A_1124 : vector<16xi32>
    %or3A_1126 = arith.constant 1065353216 : i32
    %or3A_1127 = vector.broadcast %or3A_1126 : i32 to vector<16xi32>
    %or3A_1128 = arith.ori %and3A_1125, %or3A_1127 : vector<16xi32>
    %bitcast3A_1129 = vector.bitcast %or3A_1128 : vector<16xi32> to vector<16xf32>
    %bitcast3A_1130 = vector.bitcast %gather3A_1118 : vector<16xf32> to vector<16xi32>
    %shift_right_logical3A_1131 = arith.constant 23 : i32
    %shift_right_logical3A_1132 = vector.broadcast %shift_right_logical3A_1131 : i32 to vector<16xi32>
    %shift_right_logical3A_1133 = arith.shrui %bitcast3A_1130, %shift_right_logical3A_1132 : vector<16xi32>
    %and3A_1134 = arith.constant 8388607 : i32
    %and3A_1135 = vector.broadcast %and3A_1134 : i32 to vector<16xi32>
    %and3A_1136 = arith.andi %bitcast3A_1130, %and3A_1135 : vector<16xi32>
    %or3A_1137 = arith.constant 1065353216 : i32
    %or3A_1138 = vector.broadcast %or3A_1137 : i32 to vector<16xi32>
    %or3A_1139 = arith.ori %and3A_1136, %or3A_1138 : vector<16xi32>
    %bitcast3A_1140 = vector.bitcast %or3A_1139 : vector<16xi32> to vector<16xf32>
    %mul3A_1141 = arith.mulf %bitcast3A_1129, %bitcast3A_1140 : vector<16xf32>
    %bitcast3A_1142 = vector.bitcast %mul3A_1141 : vector<16xf32> to vector<16xi32>
    %shift_right_logical3A_1143 = arith.constant 23 : i32
    %shift_right_logical3A_1144 = vector.broadcast %shift_right_logical3A_1143 : i32 to vector<16xi32>
    %shift_right_logical3A_1145 = arith.shrui %bitcast3A_1142, %shift_right_logical3A_1144 : vector<16xi32>
    %and3A_1146 = arith.constant 8388607 : i32
    %and3A_1147 = vector.broadcast %and3A_1146 : i32 to vector<16xi32>
    %and3A_1148 = arith.andi %bitcast3A_1142, %and3A_1147 : vector<16xi32>
    %or3A_1149 = arith.constant 1065353216 : i32
    %or3A_1150 = vector.broadcast %or3A_1149 : i32 to vector<16xi32>
    %or3A_1151 = arith.ori %and3A_1148, %or3A_1150 : vector<16xi32>
    %bitcast3A_1152 = vector.bitcast %or3A_1151 : vector<16xi32> to vector<16xf32>
    %mul3A_1153 = arith.constant -0.0170296114 : f32
    %mul3A_1154 = vector.broadcast %mul3A_1153 : f32 to vector<16xf32>
    %mul3A_1155 = arith.mulf %mul3A_1154, %bitcast3A_1152 : vector<16xf32>
    %add3A_1156 = arith.constant 0.183700845 : f32
    %add3A_1157 = vector.broadcast %add3A_1156 : f32 to vector<16xf32>
    %add3A_1158 = arith.addf %mul3A_1155, %add3A_1157 : vector<16xf32>
    %mul3A_1159 = arith.mulf %add3A_1158, %bitcast3A_1152 : vector<16xf32>
    %add3A_1160 = arith.constant -0.85207957 : f32
    %add3A_1161 = vector.broadcast %add3A_1160 : f32 to vector<16xf32>
    %add3A_1162 = arith.addf %mul3A_1159, %add3A_1161 : vector<16xf32>
    %mul3A_1163 = arith.mulf %add3A_1162, %bitcast3A_1152 : vector<16xf32>
    %add3A_1164 = arith.constant 2.22694349 : f32
    %add3A_1165 = vector.broadcast %add3A_1164 : f32 to vector<16xf32>
    %add3A_1166 = arith.addf %mul3A_1163, %add3A_1165 : vector<16xf32>
    %mul3A_1167 = arith.mulf %add3A_1166, %bitcast3A_1152 : vector<16xf32>
    %add3A_1168 = arith.constant -3.64712048 : f32
    %add3A_1169 = vector.broadcast %add3A_1168 : f32 to vector<16xf32>
    %add3A_1170 = arith.addf %mul3A_1167, %add3A_1169 : vector<16xf32>
    %mul3A_1171 = arith.mulf %add3A_1170, %bitcast3A_1152 : vector<16xf32>
    %add3A_1172 = arith.constant 4.205235 : f32
    %add3A_1173 = vector.broadcast %add3A_1172 : f32 to vector<16xf32>
    %add3A_1174 = arith.addf %mul3A_1171, %add3A_1173 : vector<16xf32>
    %mul3A_1175 = arith.mulf %add3A_1174, %bitcast3A_1152 : vector<16xf32>
    %add3A_1176 = arith.constant -2.09964776 : f32
    %add3A_1177 = vector.broadcast %add3A_1176 : f32 to vector<16xf32>
    %add3A_1178 = arith.addf %mul3A_1175, %add3A_1177 : vector<16xf32>
    %add3A_1179 = arith.addf %add3A_1103, %add3A_1178 : vector<16xf32>
    %add3A_1180 = arith.addi %shift_right_logical3A_1122, %shift_right_logical3A_1133 : vector<16xi32>
    %add3A_1181 = arith.addi %add3A_1180, %shift_right_logical3A_1145 : vector<16xi32>
    %add3A_1182 = arith.addi %add3A_1106, %add3A_1181 : vector<16xi32>
    %get3A_1183 = arith.constant 480 : index
    %get3A_1184 = tpu.vector_load %arg5[%get3A_1183] {strides = array<i32>} : memref<512xi32, #tpu.memory_space<vmem>>, vector<16xi32>,
    %add3A_1185 = arith.constant 480 : i32
    %add3A_1186 = vector.broadcast %add3A_1185 : i32 to vector<16xi32>
    %add3A_1187 = arith.addi %iota3A, %add3A_1186 : vector<16xi32>
    %gather3A_1188 = tpu.vector_load_idx %arg6[%add3A_1187, %get3A_1184] : memref<512x21xf32, #tpu.memory_space<vmem>>[vector<16xi32>, vector<16xi32>], vector<16xf32>,
    %get3A_1189 = arith.constant 496 : index
    %get3A_1190 = tpu.vector_load %arg5[%get3A_1189] {strides = array<i32>} : memref<512xi32, #tpu.memory_space<vmem>>, vector<16xi32>,
    %add3A_1191 = arith.constant 496 : i32
    %add3A_1192 = vector.broadcast %add3A_1191 : i32 to vector<16xi32>
    %add3A_1193 = arith.addi %iota3A, %add3A_1192 : vector<16xi32>
    %gather3A_1194 = tpu.vector_load_idx %arg6[%add3A_1193, %get3A_1190] : memref<512x21xf32, #tpu.memory_space<vmem>>[vector<16xi32>, vector<16xi32>], vector<16xf32>,
    %bitcast3A_1195 = vector.bitcast %gather3A_1188 : vector<16xf32> to vector<16xi32>
    %shift_right_logical3A_1196 = arith.constant 23 : i32
    %shift_right_logical3A_1197 = vector.broadcast %shift_right_logical3A_1196 : i32 to vector<16xi32>
    %shift_right_logical3A_1198 = arith.shrui %bitcast3A_1195, %shift_right_logical3A_1197 : vector<16xi32>
    %and3A_1199 = arith.constant 8388607 : i32
    %and3A_1200 = vector.broadcast %and3A_1199 : i32 to vector<16xi32>
    %and3A_1201 = arith.andi %bitcast3A_1195, %and3A_1200 : vector<16xi32>
    %or3A_1202 = arith.constant 1065353216 : i32
    %or3A_1203 = vector.broadcast %or3A_1202 : i32 to vector<16xi32>
    %or3A_1204 = arith.ori %and3A_1201, %or3A_1203 : vector<16xi32>
    %bitcast3A_1205 = vector.bitcast %or3A_1204 : vector<16xi32> to vector<16xf32>
    %bitcast3A_1206 = vector.bitcast %gather3A_1194 : vector<16xf32> to vector<16xi32>
    %shift_right_logical3A_1207 = arith.constant 23 : i32
    %shift_right_logical3A_1208 = vector.broadcast %shift_right_logical3A_1207 : i32 to vector<16xi32>
    %shift_right_logical3A_1209 = arith.shrui %bitcast3A_1206, %shift_right_logical3A_1208 : vector<16xi32>
    %and3A_1210 = arith.constant 8388607 : i32
    %and3A_1211 = vector.broadcast %and3A_1210 : i32 to vector<16xi32>
    %and3A_1212 = arith.andi %bitcast3A_1206, %and3A_1211 : vector<16xi32>
    %or3A_1213 = arith.constant 1065353216 : i32
    %or3A_1214 = vector.broadcast %or3A_1213 : i32 to vector<16xi32>
    %or3A_1215 = arith.ori %and3A_1212, %or3A_1214 : vector<16xi32>
    %bitcast3A_1216 = vector.bitcast %or3A_1215 : vector<16xi32> to vector<16xf32>
    %mul3A_1217 = arith.mulf %bitcast3A_1205, %bitcast3A_1216 : vector<16xf32>
    %bitcast3A_1218 = vector.bitcast %mul3A_1217 : vector<16xf32> to vector<16xi32>
    %shift_right_logical3A_1219 = arith.constant 23 : i32
    %shift_right_logical3A_1220 = vector.broadcast %shift_right_logical3A_1219 : i32 to vector<16xi32>
    %shift_right_logical3A_1221 = arith.shrui %bitcast3A_1218, %shift_right_logical3A_1220 : vector<16xi32>
    %and3A_1222 = arith.constant 8388607 : i32
    %and3A_1223 = vector.broadcast %and3A_1222 : i32 to vector<16xi32>
    %and3A_1224 = arith.andi %bitcast3A_1218, %and3A_1223 : vector<16xi32>
    %or3A_1225 = arith.constant 1065353216 : i32
    %or3A_1226 = vector.broadcast %or3A_1225 : i32 to vector<16xi32>
    %or3A_1227 = arith.ori %and3A_1224, %or3A_1226 : vector<16xi32>
    %bitcast3A_1228 = vector.bitcast %or3A_1227 : vector<16xi32> to vector<16xf32>
    %mul3A_1229 = arith.constant -0.0170296114 : f32
    %mul3A_1230 = vector.broadcast %mul3A_1229 : f32 to vector<16xf32>
    %mul3A_1231 = arith.mulf %mul3A_1230, %bitcast3A_1228 : vector<16xf32>
    %add3A_1232 = arith.constant 0.183700845 : f32
    %add3A_1233 = vector.broadcast %add3A_1232 : f32 to vector<16xf32>
    %add3A_1234 = arith.addf %mul3A_1231, %add3A_1233 : vector<16xf32>
    %mul3A_1235 = arith.mulf %add3A_1234, %bitcast3A_1228 : vector<16xf32>
    %add3A_1236 = arith.constant -0.85207957 : f32
    %add3A_1237 = vector.broadcast %add3A_1236 : f32 to vector<16xf32>
    %add3A_1238 = arith.addf %mul3A_1235, %add3A_1237 : vector<16xf32>
    %mul3A_1239 = arith.mulf %add3A_1238, %bitcast3A_1228 : vector<16xf32>
    %add3A_1240 = arith.constant 2.22694349 : f32
    %add3A_1241 = vector.broadcast %add3A_1240 : f32 to vector<16xf32>
    %add3A_1242 = arith.addf %mul3A_1239, %add3A_1241 : vector<16xf32>
    %mul3A_1243 = arith.mulf %add3A_1242, %bitcast3A_1228 : vector<16xf32>
    %add3A_1244 = arith.constant -3.64712048 : f32
    %add3A_1245 = vector.broadcast %add3A_1244 : f32 to vector<16xf32>
    %add3A_1246 = arith.addf %mul3A_1243, %add3A_1245 : vector<16xf32>
    %mul3A_1247 = arith.mulf %add3A_1246, %bitcast3A_1228 : vector<16xf32>
    %add3A_1248 = arith.constant 4.205235 : f32
    %add3A_1249 = vector.broadcast %add3A_1248 : f32 to vector<16xf32>
    %add3A_1250 = arith.addf %mul3A_1247, %add3A_1249 : vector<16xf32>
    %mul3A_1251 = arith.mulf %add3A_1250, %bitcast3A_1228 : vector<16xf32>
    %add3A_1252 = arith.constant -2.09964776 : f32
    %add3A_1253 = vector.broadcast %add3A_1252 : f32 to vector<16xf32>
    %add3A_1254 = arith.addf %mul3A_1251, %add3A_1253 : vector<16xf32>
    %add3A_1255 = arith.addf %add3A_1179, %add3A_1254 : vector<16xf32>
    %add3A_1256 = arith.addi %shift_right_logical3A_1198, %shift_right_logical3A_1209 : vector<16xi32>
    %add3A_1257 = arith.addi %add3A_1256, %shift_right_logical3A_1221 : vector<16xi32>
    %add3A_1258 = arith.addi %add3A_1182, %add3A_1257 : vector<16xi32>
    %convert_element_type3A = arith.sitofp %add3A_1258 : vector<16xi32> to vector<16xf32>
    %sub3A = arith.constant 6.096000e+03 : f32
    %sub3A_1259 = vector.broadcast %sub3A : f32 to vector<16xf32>
    %sub3A_1260 = arith.subf %convert_element_type3A, %sub3A_1259 : vector<16xf32>
    %mul3A_1261 = arith.constant 0.693147182 : f32
    %mul3A_1262 = vector.broadcast %mul3A_1261 : f32 to vector<16xf32>
    %mul3A_1263 = arith.mulf %sub3A_1260, %mul3A_1262 : vector<16xf32>
    %add3A_1264 = arith.addf %add3A_1255, %mul3A_1263 : vector<16xf32>
    %reduce_sum3A = arith.constant true
    %reduce_sum3A_1265 = vector.broadcast %reduce_sum3A : i1 to vector<16xi1>
    %reduce_sum3A_1266 = tpu.scan <sum>, %add3A_1264 masked %reduce_sum3A_1265 : vector<16xf32>, vector<16xi1> -> vector<16xf32>
    %reduce_sum3A_1267 = vector.extract %reduce_sum3A_1266[15] : f32 from vector<16xf32>
    %broadcast_in_dim3A_1268 = vector.broadcast %reduce_sum3A_1267 : f32 to vector<16xf32>
    %swap3A = arith.constant 0 : index
    %swap3A_1269 = tpu.vector_load %arg7[%swap3A] {strides = array<i32>} : memref<16xf32, #tpu.memory_space<vmem>>, vector<16xf32>,
    tpu.vector_store %arg7[%swap3A], %broadcast_in_dim3A_1268 {strides = array<i32>} : memref<16xf32, #tpu.memory_space<vmem>>, vector<16xf32>,
    %mul3A_1270 = arith.constant 8 : i32
    %mul3A_1271 = arith.muli %arg1, %mul3A_1270 : i32
    "tpu.region"() ({
      %run_scoped3A = tpu.sem_alloc : memref<!tpu.dma_semaphore, #tpu.memory_space<semaphore_mem>>
      %dma_start3A_1275 = arith.constant 0 : i32
      %dma_start3A_1276 = tpu.memref_slice %arg7[%dma_start3A_1275] : memref<16xf32, #tpu.memory_space<vmem>> -> memref<8xf32, #tpu.memory_space<vmem>>
      %dma_start3A_1277 = tpu.memref_slice %arg8[%mul3A_1271] : memref<128xf32, #tpu.memory_space<vmem_shared>> -> memref<8xf32, #tpu.memory_space<vmem_shared>>
      %dma_start3A_1278 = tpu.memref_slice %arg8[%mul3A_1271] : memref<128xf32, #tpu.memory_space<vmem_shared>> -> memref<8xf32, #tpu.memory_space<vmem_shared>>
      %dma_start3A_1279 = arith.constant 0 : i32
      %dma_start3A_1280 = tpu.memref_slice %arg7[%dma_start3A_1279] : memref<16xf32, #tpu.memory_space<vmem>> -> memref<8xf32, #tpu.memory_space<vmem>>
      tpu.enqueue_dma source(%dma_start3A_1280 : memref<8xf32, #tpu.memory_space<vmem>>) target(%dma_start3A_1278 : memref<8xf32, #tpu.memory_space<vmem_shared>>) target_semaphore(%run_scoped3A : memref<!tpu.dma_semaphore, #tpu.memory_space<semaphore_mem>>)
      %dma_wait3A_1281 = arith.constant 0 : i32
      %dma_wait3A_1282 = tpu.memref_slice %arg7[%dma_wait3A_1281] : memref<16xf32, #tpu.memory_space<vmem>> -> memref<8xf32, #tpu.memory_space<vmem>>
      %dma_wait3A_1283 = tpu.memref_slice %arg8[%mul3A_1271] : memref<128xf32, #tpu.memory_space<vmem_shared>> -> memref<8xf32, #tpu.memory_space<vmem_shared>>
      %dma_wait3A_1284 = tpu.memref_slice %arg8[%mul3A_1271] : memref<128xf32, #tpu.memory_space<vmem_shared>> -> memref<8xf32, #tpu.memory_space<vmem_shared>>
      %dma_wait3A_1285 = arith.constant 0 : i32
      %dma_wait3A_1286 = tpu.memref_slice %arg7[%dma_wait3A_1285] : memref<16xf32, #tpu.memory_space<vmem>> -> memref<8xf32, #tpu.memory_space<vmem>>
      tpu.wait_dma2 semaphore(%run_scoped3A : memref<!tpu.dma_semaphore, #tpu.memory_space<semaphore_mem>>) src(%dma_wait3A_1286 : memref<8xf32, #tpu.memory_space<vmem>>) dst(%dma_wait3A_1284 : memref<8xf32, #tpu.memory_space<vmem_shared>>)
      tpu.yield
    }) : () -> ()
    %barrier3A = arith.constant 0 : index
    tpu.barrier barrier_id(%barrier3A)
    %eq3A = arith.constant 0 : i32
    %eq3A_1272 = arith.cmpi eq, %arg1, %eq3A : i32
    %convert_element_type3A_1273 = arith.extui %eq3A_1272 : i1 to i32
    %cond3A = arith.constant 0 : i32
    %cond3A_1274 = arith.cmpi ne, %convert_element_type3A_1273, %cond3A : i32
    scf.if %cond3A_1274 {
      "tpu.region"() ({
        %run_scoped3A = tpu.sem_alloc : memref<!tpu.dma_semaphore, #tpu.memory_space<semaphore_mem>>
        tpu.enqueue_dma source(%arg8 : memref<128xf32, #tpu.memory_space<vmem_shared>>) target(%arg9 : memref<128xf32, #tpu.memory_space<vmem>>) target_semaphore(%run_scoped3A : memref<!tpu.dma_semaphore, #tpu.memory_space<semaphore_mem>>)
        tpu.wait_dma2 semaphore(%run_scoped3A : memref<!tpu.dma_semaphore, #tpu.memory_space<semaphore_mem>>) src(%arg8 : memref<128xf32, #tpu.memory_space<vmem_shared>>) dst(%arg9 : memref<128xf32, #tpu.memory_space<vmem>>)
        tpu.yield
      }) : () -> ()
      %broadcast_in_dim3A_1275 = arith.constant 0.000000e+00 : f32
      %broadcast_in_dim3A_1276 = vector.broadcast %broadcast_in_dim3A_1275 : f32 to vector<16xf32>
      %get3A_1277 = arith.constant 0 : index
      %get3A_1278 = tpu.vector_load %arg9[%get3A_1277] {strides = array<i32>} : memref<128xf32, #tpu.memory_space<vmem>>, vector<16xf32>,
      %add3A_1279 = arith.addf %broadcast_in_dim3A_1276, %get3A_1278 : vector<16xf32>
      %get3A_1280 = arith.constant 16 : index
      %get3A_1281 = tpu.vector_load %arg9[%get3A_1280] {strides = array<i32>} : memref<128xf32, #tpu.memory_space<vmem>>, vector<16xf32>,
      %add3A_1282 = arith.addf %add3A_1279, %get3A_1281 : vector<16xf32>
      %get3A_1283 = arith.constant 32 : index
      %get3A_1284 = tpu.vector_load %arg9[%get3A_1283] {strides = array<i32>} : memref<128xf32, #tpu.memory_space<vmem>>, vector<16xf32>,
      %add3A_1285 = arith.addf %add3A_1282, %get3A_1284 : vector<16xf32>
      %get3A_1286 = arith.constant 48 : index
      %get3A_1287 = tpu.vector_load %arg9[%get3A_1286] {strides = array<i32>} : memref<128xf32, #tpu.memory_space<vmem>>, vector<16xf32>,
      %add3A_1288 = arith.addf %add3A_1285, %get3A_1287 : vector<16xf32>
      %get3A_1289 = arith.constant 64 : index
      %get3A_1290 = tpu.vector_load %arg9[%get3A_1289] {strides = array<i32>} : memref<128xf32, #tpu.memory_space<vmem>>, vector<16xf32>,
      %add3A_1291 = arith.addf %add3A_1288, %get3A_1290 : vector<16xf32>
      %get3A_1292 = arith.constant 80 : index
      %get3A_1293 = tpu.vector_load %arg9[%get3A_1292] {strides = array<i32>} : memref<128xf32, #tpu.memory_space<vmem>>, vector<16xf32>,
      %add3A_1294 = arith.addf %add3A_1291, %get3A_1293 : vector<16xf32>
      %get3A_1295 = arith.constant 96 : index
      %get3A_1296 = tpu.vector_load %arg9[%get3A_1295] {strides = array<i32>} : memref<128xf32, #tpu.memory_space<vmem>>, vector<16xf32>,
      %add3A_1297 = arith.addf %add3A_1294, %get3A_1296 : vector<16xf32>
      %get3A_1298 = arith.constant 112 : index
      %get3A_1299 = tpu.vector_load %arg9[%get3A_1298] {strides = array<i32>} : memref<128xf32, #tpu.memory_space<vmem>>, vector<16xf32>,
      %add3A_1300 = arith.addf %add3A_1297, %get3A_1299 : vector<16xf32>
      %reduce_sum3A_1301 = arith.constant true
      %reduce_sum3A_1302 = vector.broadcast %reduce_sum3A_1301 : i1 to vector<16xi1>
      %reduce_sum3A_1303 = tpu.scan <sum>, %add3A_1300 masked %reduce_sum3A_1302 : vector<16xf32>, vector<16xi1> -> vector<16xf32>
      %reduce_sum3A_1304 = vector.extract %reduce_sum3A_1303[15] : f32 from vector<16xf32>
      %mul3A_1305 = arith.constant -1.250000e-01 : f32
      %mul3A_1306 = arith.mulf %mul3A_1305, %reduce_sum3A_1304 : f32
      %broadcast_in_dim3A_1307 = vector.broadcast %mul3A_1306 : f32 to vector<16xf32>
      %swap3A_1308 = arith.constant 0 : index
      %swap3A_1309 = tpu.vector_load %arg10[%swap3A_1308] {strides = array<i32>} : memref<16xf32, #tpu.memory_space<vmem>>, vector<16xf32>,
      tpu.vector_store %arg10[%swap3A_1308], %broadcast_in_dim3A_1307 {strides = array<i32>} : memref<16xf32, #tpu.memory_space<vmem>>, vector<16xf32>,
      "tpu.region"() ({
        %run_scoped3A = tpu.sem_alloc : memref<!tpu.dma_semaphore, #tpu.memory_space<semaphore_mem>>
        %dma_start3A_1310 = arith.constant 0 : i32
        %dma_start3A_1311 = tpu.memref_slice %arg10[%dma_start3A_1310] : memref<16xf32, #tpu.memory_space<vmem>> -> memref<1xf32, #tpu.memory_space<vmem>>
        %dma_start3A_1312 = arith.constant 0 : i32
        %dma_start3A_1313 = tpu.memref_slice %arg10[%dma_start3A_1312] : memref<16xf32, #tpu.memory_space<vmem>> -> memref<1xf32, #tpu.memory_space<vmem>>
        tpu.enqueue_dma source(%dma_start3A_1313 : memref<1xf32, #tpu.memory_space<vmem>>) target(%arg4 : memref<1xf32, #tpu.memory_space<hbm>>) target_semaphore(%run_scoped3A : memref<!tpu.dma_semaphore, #tpu.memory_space<semaphore_mem>>)
        %dma_wait3A_1314 = arith.constant 0 : i32
        %dma_wait3A_1315 = tpu.memref_slice %arg10[%dma_wait3A_1314] : memref<16xf32, #tpu.memory_space<vmem>> -> memref<1xf32, #tpu.memory_space<vmem>>
        %dma_wait3A_1316 = arith.constant 0 : i32
        %dma_wait3A_1317 = tpu.memref_slice %arg10[%dma_wait3A_1316] : memref<16xf32, #tpu.memory_space<vmem>> -> memref<1xf32, #tpu.memory_space<vmem>>
        tpu.wait_dma2 semaphore(%run_scoped3A : memref<!tpu.dma_semaphore, #tpu.memory_space<semaphore_mem>>) src(%dma_wait3A_1317 : memref<1xf32, #tpu.memory_space<vmem>>) dst(%arg4 : memref<1xf32, #tpu.memory_space<hbm>>)
        tpu.yield
      }) : () -> ()
    } else {
    }
    return
  }
}

</mosaic_0001>

<sc_bundles>
// kernel: kernel.3.cloned.1.call-start
scs
__scs_entry_jumppad:
0x0: {  	(pc) =	sbr.rel $0x88, $3  }
0x1: {  	(tag) =	ssettag $0x0;
	lr =	simm.s32 $0x1  }
0x2: {  	[smem:$0x3F9F] =	sst lr;
	_ =	strace $0xD0000000  }
0x3: {  	_ = 	snop  }
0x4: {  	_ = 	snop  }
0x5: {  	_ = 	snop  }
0x6: {  	_ = 	snop  }
0x7: {  	_ = 	snop  }
__scs_overlays_trampoline_lowered:
0x8: {  	[smem:$0x3FAE] =	sst s0  }
0x9: {  	[smem:$0x3FAF] =	sst s1  }
0xa: {  	[smem:$0x3FB0] =	sst s2  }
0xb: {  	[smem:$0x3FB1] =	sst s3  }
0xc: {  	[smem:$0x3FB2] =	sst s4  }
0xd: {  	[smem:$0x3FB3] =	sst s5  }
0xe: {  	[smem:$0x3FB4] =	sst s6  }
0xf: {  	[smem:$0x3FB5] =	sst s7  }
0x10: {  	[smem:$0x3FB6] =	sst s8  }
0x11: {  	[smem:$0x3FB7] =	sst s9;
	s0 =	simm.s32 @!p0 $0x0  }
0x12: {  	s1 =	sld [smem:$0x3F9D];
	s0 =	simm.s32 @p0 $0x1  }
0x13: {  	[smem:$0x3FB8] =	sst s0;
	s0 =	simm.s32 @!p1 $0x0  }
0x14: {  	s2 =	sld [smem:$0x3F9C];
	s0 =	simm.s32 @p1 $0x1  }
0x15: {  	[smem:$0x3FB9] =	sst s0;
	s0 =	simm.s32 @!p2 $0x0  }
0x16: {  	s3 =	sld [smem:$0x3FDB];
	s0 =	simm.s32 @p2 $0x1  }
0x17: {  	s4 =	simm.s32 $0x1BF5;
	[smem:$0x3FBB] =	sst s0  }
0x18: {  	s0 =	sld [smem:$0x3F9E];
	_ =	swait.ge [sflag:s4], $0x0  }
0x19: {  	s7 =	sld [smem:$0x3F9F]  }
0x1a: {  	s8 =	sadd.s32 $0xFFFFE003, lr  }
0x1b: {  	s9 =	sadd.s32 $0xFFFFFEF7, lr;
	s5 =	simm.s32 $0xFFFFFFFF;
	p2 =	slt.u32 s8, $0xFFFFF086  }
0x1c: {  	p1 =	slt.u32 s9, $0xF7A;
	s5 =	simm.s32 @!p2 $0x0  }
0x1d: {  	s5 =	simm.s32 @p1 $0x1;
	p0 =	seq.s32 s7, s2  }
0x1e: {  	s7 =	smul.u32 @!p0 $0xF7A, s2;
	p2 =	seq.s32 @!p0 s5, $0x0  }
0x1f: {  	s9 =	smul.u32 $0xF7A, s1;
	s8 =	simm.s32 @!p0 $0x1BF5;
	p2 =	por !p2, p0  }
0x20: {  	[sflag:s8] =	ssyncset.s32 @!p0 $0xFFFFF086;
	s6 =	sadd.s32 @!p0 s3, s7;
	s7 =	simm.s32 @!p0 $0x108  }
0x21: {  	s3 =	sadd.s32 s3, s9;
	s6 =	sadd.s32 @!p0 $0x88, s6;
	s7 =	simm.s32 @p2 $0x1082  }
0x22: {  	[simem:s7], [sflag:s8] =	dma.local @!p0 [hbm:s6], $0xF7A  }
0x23: {  	s9 =	sor.u32 $0xD0000000, s2;
	s6 =	simm.s32 $0x108;
	_ =	swait.ge @!p0 [sflag:s8], $0x0  }
0x24: {  	s3 =	sadd.s32 $0x88, s3;
	s6 =	simm.s32 @!p1 $0x1082;
	[sflag:s4] =	ssyncset.s32 $0xFFFFF086  }
0x25: {  	[simem:s6], [sflag:s4] =	dma.local [hbm:s3], $0xF7A  }
0x26: {  	[smem:$0x3F9F] =	sst s1;
	(tag) =	ssettag s2;
	_ =	strace s9  }
0x27: {  	s1 =	sld [smem:$0x3FAF]  }
0x28: {  	s2 =	sld [smem:$0x3FB0]  }
0x29: {  	s4 =	sld [smem:$0x3FB2]  }
0x2a: {  	p0 =	seq.s32 s5, $0x0;
	s5 =	sld [smem:$0x3FB3]  }
0x2b: {  	s6 =	sld [smem:$0x3FB4]  }
0x2c: {  	s7 =	sld [smem:$0x3FB5]  }
0x2d: {  	s3 =	simm.s32 $0x108;
	s8 =	sld [smem:$0x3FB6]  }
0x2e: {  	s3 =	simm.s32 @!p0 $0x1082;
	s9 =	sld [smem:$0x3FB7]  }
0x2f: {  	lr =	sadd.s32 s0, s3;
	s0 =	sld [smem:$0x3FAE]  }
0x30: {  	s3 =	sld [smem:$0x3FB1]  }
0x31: {  	[smem:$0x3FBA] =	sst s10  }
0x32: {  	s10 =	sld [smem:$0x3FB8];
	_ =	sdelay $0x3  }
0x33: {  	p0 =	seq.s32 s10, $0x1;
	s10 =	sld [smem:$0x3FBA];
	_ =	sdelay $0x3  }
0x34: {  	[smem:$0x3FBA] =	sst s10  }
0x35: {  	s10 =	sld [smem:$0x3FB9];
	_ =	sdelay $0x3  }
0x36: {  	p1 =	seq.s32 s10, $0x1;
	s10 =	sld [smem:$0x3FBA];
	_ =	sdelay $0x3  }
0x37: {  	[smem:$0x3FBA] =	sst s10  }
0x38: {  	s10 =	sld [smem:$0x3FBB]  }
0x39: {  	_ = 	snop;
	(pc) =	sbr.ind lr, $3  }
0x3a: {  	_ = 	snop  }
0x3b: {  	_ = 	snop  }
0x3c: {  	p2 =	seq.s32 s10, $0x1;
	s10 =	sld [smem:$0x3FBA]  }
0x3d: {  	_ =	shalt  }
0x3e: {  	_ =	shalt  }
0x3f: {  	_ =	shalt  }
0x40: {  	_ =	shalt  }
0x41: {  	_ =	shalt  }
0x42: {  	_ =	shalt  }
0x43: {  	_ =	shalt  }
0x44: {  	_ =	shalt  }
0x45: {  	_ =	shalt  }
0x46: {  	_ =	shalt  }
0x47: {  	_ =	shalt  }
0x48: {  	_ =	shalt  }
0x49: {  	_ =	shalt  }
0x4a: {  	_ =	shalt  }
0x4b: {  	_ =	shalt  }
0x4c: {  	_ =	shalt  }
0x4d: {  	_ =	shalt  }
0x4e: {  	_ =	shalt  }
0x4f: {  	_ =	shalt  }
0x50: {  	_ =	shalt  }
0x51: {  	_ =	shalt  }
0x52: {  	_ =	shalt  }
0x53: {  	_ =	shalt  }
0x54: {  	_ =	shalt  }
0x55: {  	_ =	shalt  }
0x56: {  	_ =	shalt  }
0x57: {  	_ =	shalt  }
0x58: {  	_ =	shalt  }
0x59: {  	_ =	shalt  }
0x5a: {  	_ =	shalt  }
0x5b: {  	_ =	shalt  }
0x5c: {  	_ =	shalt  }
0x5d: {  	_ =	shalt  }
0x5e: {  	_ =	shalt  }
0x5f: {  	_ =	shalt  }
0x60: {  	_ =	shalt  }
0x61: {  	_ =	shalt  }
0x62: {  	_ =	shalt  }
0x63: {  	_ =	shalt  }
0x64: {  	_ =	shalt  }
0x65: {  	_ =	shalt  }
0x66: {  	_ =	shalt  }
0x67: {  	_ =	shalt  }
0x68: {  	_ =	shalt  }
0x69: {  	_ =	shalt  }
0x6a: {  	_ =	shalt  }
0x6b: {  	_ =	shalt  }
0x6c: {  	_ =	shalt  }
0x6d: {  	_ =	shalt  }
0x6e: {  	_ =	shalt  }
0x6f: {  	_ =	shalt  }
0x70: {  	_ =	shalt  }
0x71: {  	_ =	shalt  }
0x72: {  	_ =	shalt  }
0x73: {  	_ =	shalt  }
0x74: {  	_ =	shalt  }
0x75: {  	_ =	shalt  }
0x76: {  	_ =	shalt  }
0x77: {  	_ =	shalt  }
0x78: {  	_ =	shalt  }
0x79: {  	_ =	shalt  }
0x7a: {  	_ =	shalt  }
0x7b: {  	_ =	shalt  }
0x7c: {  	_ =	shalt  }
0x7d: {  	_ =	shalt  }
0x7e: {  	_ =	shalt  }
0x7f: {  	_ =	shalt  }
0x80: {  	_ =	shalt  }
0x81: {  	_ =	shalt  }
0x82: {  	_ =	shalt  }
0x83: {  	_ =	shalt  }
0x84: {  	_ =	shalt  }
0x85: {  	_ =	shalt  }
0x86: {  	_ =	shalt  }
0x87: {  	_ =	shalt  }
.Lfunc_end0:
.L_simem_size_0:
called_computation_lowered:
.L_overlay_start_0:
0x88: {  	s0 =	sld [smem:$0x3FD9]  }
0x89: {  	s1 =	sld [smem:$0x3FFE];
	_ =	sdelay $0x3  }
0x8a: {  	s0 =	sadd.s32 s1, s0  }
0x8b: {  	[smem:$0x3FC6] =	sst s0  }
0x8c: {  	_ = 	snop  }
0x8d: {  	s0 =	sld [smem:$0x3FC9]  }
0x8e: {  	s16 =	sld [smem:$0x3FD0];
	(tm) =	ssettm $0x1  }
0x8f: {  	s2 =	sld [smem:$0x3FFB];
	_ =	sdelay $0x3  }
0x90: {  	_ =	strace s2  }
0x91: {  	s2 =	sld [smem:$0x3FFC];
	_ =	sdelay $0x3  }
0x92: {  	_ =	strace s2  }
0x93: {  	s2 =	sld [smem:$0x3FFD];
	_ =	sdelay $0x3  }
0x94: {  	_ =	strace s2  }
0x95: {  	_ =	strace $0x8FFFFFFF  }
0x96: {  	s17 =	sld [smem:$0x3FDB];
	_ =	sdelay $0x1  }
0x97: {  	s3 =	simm.s32 $_scs_section_size  }
0x98: {  	s4 =	simm.s32 $_size__tile_overlayer_lowered;
	s5 =	simm.s32 $_tile_overlayer_lowered  }
0x99: {  	s20 =	simm.s32 $0x1BFF;
	s19 =	sshll.u32 s5, $0x1;
	s2 =	sadd.s32 s3, s17  }
0x9a: {  	s6 =	simm.s32 $0x0;
	s18 =	sshll.u32 s4, $0x1;
	s4 =	sadd.s32 s19, s2  }
0x9b: {  	[timem:s6], [sflag:s20] =	dma.local [hbm:s4], s18  }
0x9c: {  	_ =	swait.ge [sflag:s20], s18  }
0x9d: {  	s3 =	ssub.s32 $0x0, s18;
	[sflag:s20] =	ssyncset.done $0x0  }
0x9e: {  	[sflag:s20] =	ssyncadd.s32 s3;
	_ =	sdelay $0x1  }
0x9f: {  	s21 =	simm.s32 $0x1B8B  }
0xa0: {  	_ =	swait.ge [sflag:s21], $0x1  }
0xa1: {  	[sflag:s21] =	ssyncset.done $0x0  }
0xa2: {  	s23 =	simm.s32 $0x1B8E;
	s22 =	sld [smem:$0x3FFE];
	[sflag:s21] =	ssyncadd.s32 $0xFFFFFFFF  }
0xa3: {  	s24 =	simm.s32 $execute0_lowered;
	[smem:$0x3FD2] =	sst s23  }
0xa4: {  	s4 =	sshll.u32 s24, $0x1;
	_ =	strace $0x80000046;
	[dreg:$0x1] =	wrdreg $0xFFFFFFFF  }
0xa5: {  	s25 =	simm.s32 $_size_execute0_lowered;
	s2 =	sadd.s32 s2, s4;
	[dreg:$0x0] =	wrdreg $0x0  }
0xa6: {  	s4 =	sshll.u32 s25, $0x1;
	[dreg:$0x2] =	wrdreg s2  }
0xa7: {  	[dreg:$0x3] =	wrdreg s4  }
0xa8: {  	[dreg:$0x4] =	wrdreg $0xC0  }
0xa9: {  	_ =	task [dreg:s6], $0x5FFFF  }
0xaa: {  	[dreg:$0x1] =	wrdreg $0xFFFFFFFF  }
0xab: {  	[dreg:$0x0] =	wrdreg $0x60  }
0xac: {  	[dreg:$0x2] =	wrdreg s0  }
0xad: {  	[dreg:$0x3] =	wrdreg s22  }
0xae: {  	[dreg:$0x4] =	wrdreg s16  }
0xaf: {  	[dreg:$0x5] =	wrdreg $0x102800  }
0xb0: {  	[dreg:$0x6] =	wrdreg $0x9  }
0xb1: {  	_ =	task.clear_ibuf [dreg:s6], $0x7FFFF;
	_ =	strace $0x90000046  }
0xb2: {  	s26 =	simm.s32 $0x9;
	_ =	strace $0x80000048  }
0xb3: {  	_ =	swait.ge [sflag:s26], $0x1  }
0xb4: {  	[sflag:s26] =	ssyncadd.s32 $0xFFFFFFFF  }
0xb5: {  	_ =	strace $0x90000048  }
0xb6: {  	_ =	sfence  }
0xb7: {  	s28 =	sld [smem:$0x0];
	_ =	sdelay $0x1  }
0xb8: {  	s29 =	srdreg.scid  }
0xb9: {  	s30 =	sshll.u32 s29, $0xD;
	s31 =	sshrl.u32 s29, $0x2  }
0xba: {  	s1 =	sand.u32 $0x1, s29;
	s2 =	sand.u32 $0x4000, s30;
	s0 =	sadd.s32 s31, s28  }
0xbb: {  	s1 =	sor.u32 s2, s1;
	s0 =	sshll.u32 s0, $0x11  }
0xbc: {  	s0 =	sor.u32 s0, s1  }
0xbd: {  	s0 =	sadd.s32 $0x8F2B, s0  }
0xbe: {  	[sflag:s0] =	ssyncadd.remote.s32 $0x1  }
0xbf: {  	_ =	sfence.sel $0xFFFF  }
0xc0: {  	[dreg:$0x0] =	wrdreg $0xFFFFFFFF;
	(pc) =	sbr.abs _section_cstart, $3  }
0xc1: {  	[dreg:$0x1] =	wrdreg $0xFFFFFFFF  }
0xc2: {  	_ =	task.clear_ibuf [dreg:s6], $0x2FFFF;
	_ =	strace $0x9FFFFFFF  }
0xc3: {  	(tm) =	ssettm $0x7FFFFFFF  }
tec
execute0_lowered:
.L_overlay_start_1:
0x0: {  	(tag) =	ssettag $0x1  }
0x1: {  	s4 =	rddreg [dreg:$0x0]  }
0x2: {  	s5 =	rddreg [dreg:$0x1]  }
0x3: {  	s1 =	rddreg [dreg:$0x2]  }
0x4: {  	s2 =	rddreg [dreg:$0x3]  }
0x5: {  	s0 =	rddreg [dreg:$0x4];
	s6 =	simm.s32 $0x0;
	s3 =	stileid.u32  }
0x6: {  	[smem:$0x7FF] =	sst s6;
	s7 =	sshll.u32 s3, $0xD;
	s8 =	sshll.u32 s3, $0x6  }
0x7: {  	_ =	strace $0x80000047;
	s5 =	sadd.s32 s7, s5;
	s4 =	sadd.s32 s4, s8  }
0x8: {  	[tilespmem:s6], [sflag:$0x1] =	stream.linear.gather [hbm4b:s4+s6], $0x200, $0x38;
	[tilespmem:$0x10388] =	vst v63  }
0x9: {  	s23 =	simm.s32 $0x200;
	s7 =	sadd.s32 $0x400, s5  }
0xa: {  	[tilespmem:s23], [sflag:$0x2] =	stream.linear.gather [hbm4b:s7+s6], $0x8000, $0x38;
	[tilespmem:$0x10388] =	vst v63  }
0xb: {  	s24 =	simm.s32 $0x8200;
	s25 =	simm.s32 $0x1;
	s5 =	sadd.s32 $0x1400, s5  }
0xc: {  	[tilespmem:s24], [sflag:$0x3] =	stream.linear.gather [hbm4b:s5+s6], $0x8000, $0x38;
	[tilespmem:$0x10388] =	vst v63  }
0xd: {  	_ =	swait.ge [sflag:s25], $0x200  }
0xe: {  	[sflag:s25] =	ssyncset.done $0x0  }
0xf: {  	s26 =	simm.s32 $0x2;
	[sflag:s25] =	ssyncadd.s32 $0xFFFFFE00  }
0x10: {  	_ =	swait.ge [sflag:s26], $0x8000  }
0x11: {  	[sflag:s26] =	ssyncset.done $0x0  }
0x12: {  	[sflag:s26] =	ssyncadd.s32 $0xFFFF8000  }
0x13: {  	v1 =	vld [tilespmem:$0x0]  }
0x14: {  	v2 =	vld [tilespmem:$0x10]  }
0x15: {  	v0 =	vlaneseq.u32;
	v10 =	vld [tilespmem:$0x20]  }
0x16: {  	v0 =	vmul.u32 $0x80, v0;
	v4 =	vld [tilespmem:$0x30];
	_ =	sdelay $0x1  }
0x17: {  	v3 =	vor.u32 $0x800, v0;
	v1 =	vadd.s32 v0, v1  }
0x18: {  	v5 =	vor.u32 $0x1000, v0;
	v2 =	vadd.s32 v3, v2  }
0x19: {  	v12 =	vor.u32 $0x1800, v0;
	v17 =	vld [tilespmem:$0x40];
	v11 =	vadd.s32 v5, v10  }
0x1a: {  	v18 =	vld [tilespmem:$0x50];
	v3 =	vadd.s32 v12, v4  }
0x1b: {  	v22 =	vld [tilespmem:$0x70]  }
0x1c: {  	v1 =	vld.idx.msk [tilespmem:v1+s23+$0x0], $0xffff  }
0x1d: {  	v6 =	vld.idx.msk [tilespmem:v2+s23+$0x0], $0xffff  }
0x1e: {  	v20 =	vor.u32 $0x2800, v0;
	v7 =	vld.idx.msk [tilespmem:v11+s23+$0x0], $0xffff  }
0x1f: {  	v8 =	vld.idx.msk [tilespmem:v3+s23+$0x0], $0xffff;
	v3 =	vadd.s32 v20, v18  }
0x20: {  	v11 =	vor.u32 $0x2000, v0  }
0x21: {  	v21 =	vld [tilespmem:$0x60];
	v2 =	vadd.s32 v11, v17  }
0x22: {  	v23 =	vor.u32 $0x3000, v0;
	v24 =	vor.u32 $0x3800, v0  }
0x23: {  	v13 =	vand.u32 $0x7FFFFF, v1;
	v14 =	vand.u32 $0x7FFFFF, v6;
	v10 =	vand.u32 $0x7FFFFF, v7  }
0x24: {  	v12 =	vand.u32 $0x7FFFFF, v8;
	v17 =	vld.idx.msk [tilespmem:v3+s23+$0x0], $0xffff;
	v3 =	vadd.s32 v24, v22;
	v15 =	vor.u32 $0x3F800000, v13  }
0x25: {  	v16 =	vor.u32 $0x3F800000, v14;
	v10 =	vor.u32 $0x3F800000, v10;
	v12 =	vor.u32 $0x3F800000, v12  }
0x26: {  	v14 =	vld.idx.msk [tilespmem:v2+s23+$0x0], $0xffff;
	v2 =	vadd.s32 v23, v21;
	v4 =	vmul.f32 v16, v15;
	v12 =	vmul.f32 v12, v10  }
0x27: {  	v31 =	vor.u32 $0x4800, v0  }
0x28: {  	v37 =	vor.u32 $0x5000, v0;
	v19 =	vand.u32 $0x7FFFFF, v4;
	v13 =	vand.u32 $0x7FFFFF, v12  }
0x29: {  	v45 =	vor.u32 $0x5800, v0;
	v39 =	vld [tilespmem:$0xB0];
	v5 =	vor.u32 $0x3F800000, v19;
	v13 =	vor.u32 $0x3F800000, v13  }
0x2a: {  	v16 =	vand.u32 $0x7FFFFF, v17;
	v11 =	vld.idx.msk [tilespmem:v3+s23+$0x0], $0xffff;
	v9 =	vmul.f32 $1.702961140e-02, v5;
	v15 =	vmul.f32 $1.702961140e-02, v13  }
0x2b: {  	v55 =	vor.u32 $0x6000, v0;
	v27 =	vand.u32 $0x7FFFFF, v14;
	v10 =	vld.idx.msk [tilespmem:v2+s23+$0x0], $0xffff;
	v16 =	vor.u32 $0x3F800000, v16  }
0x2c: {  	v9 =	vsub.f32 $1.837008450e-01, v9;
	v25 =	vsub.f32 $1.837008450e-01, v15;
	v15 =	vor.u32 $0x3F800000, v27  }
0x2d: {  	v56 =	vor.u32 $0x6800, v0;
	v57 =	vor.u32 $0x7000, v0;
	v22 =	vld [tilespmem:$0xA0];
	v15 =	vmul.f32 v16, v15  }
0x2e: {  	v59 =	vor.u32 $0x7800, v0;
	v54 =	vld [tilespmem:$0xE0];
	v47 =	vadd.s32 v45, v39;
	v9 =	vmul.f32 v5, v9  }
0x2f: {  	v18 =	vld [tilespmem:$0x90];
	v26 =	vmul.f32 v13, v25;
	v21 =	vand.u32 $0x7FFFFF, v11;
	v16 =	vand.u32 $0x7FFFFF, v15  }
0x30: {  	v20 =	vand.u32 $0x7FFFFF, v10;
	v21 =	vor.u32 $0x3F800000, v21;
	v9 =	vadd.f32 $-8.520795700e-01, v9  }
0x31: {  	v28 =	vadd.f32 $-8.520795700e-01, v26;
	v19 =	vor.u32 $0x3F800000, v16;
	v20 =	vor.u32 $0x3F800000, v20  }
0x32: {  	v30 =	vld [tilespmem:$0x80];
	v16 =	vmul.f32 $1.702961140e-02, v19;
	v24 =	vmul.f32 v21, v20;
	v20 =	vadd.s32 v37, v22  }
0x33: {  	v58 =	vadd.s32 v57, v54;
	v9 =	vmul.f32 v5, v9;
	v2 =	vmul.f32 v13, v28  }
0x34: {  	v34 =	vadd.s32 v31, v18;
	v33 =	vsub.f32 $1.837008450e-01, v16;
	v36 =	vand.u32 $0x7FFFFF, v24  }
0x35: {  	v28 =	vld [tilespmem:$0xF0];
	v9 =	vadd.f32 $2.226943490e+00, v9;
	v2 =	vadd.f32 $2.226943490e+00, v2;
	v25 =	vor.u32 $0x3F800000, v36  }
0x36: {  	v23 =	vor.u32 $0x4000, v0;
	v38 =	vmul.f32 v19, v33;
	v26 =	vmul.f32 $1.702961140e-02, v25  }
0x37: {  	v29 =	vmul.f32 v5, v9;
	v9 =	vadd.s32 v23, v30;
	v35 =	vmul.f32 v13, v2;
	v16 =	vld.idx.msk [tilespmem:v20+s23+$0x0], $0xffff  }
0x38: {  	v2 =	vshrl.u32 v1, $0x17;
	v1 =	vshrl.u32 v4, $0x17;
	v30 =	vld.idx.msk [tilespmem:v47+s23+$0x0], $0xffff;
	v41 =	vadd.f32 $-8.520795700e-01, v38  }
0x39: {  	v4 =	vshrl.u32 v8, $0x17;
	v3 =	vadd.f32 $-3.647120480e+00, v29;
	v18 =	vadd.f32 $-3.647120480e+00, v35  }
0x3a: {  	v51 =	vld [tilespmem:$0xD0];
	v43 =	vsub.f32 $1.837008450e-01, v26;
	v61 =	vadd.s32 v59, v28;
	v44 =	vmul.f32 v19, v41  }
0x3b: {  	v32 =	vmul.f32 v5, v3;
	v3 =	vshrl.u32 v6, $0x17;
	v42 =	vmul.f32 v13, v18;
	v18 =	vld.idx.msk [tilespmem:v34+s23+$0x0], $0xffff  }
0x3c: {  	v27 =	vld.idx.msk [tilespmem:v9+s23+$0x0], $0xffff;
	v9 =	vmul.f32 v25, v43;
	v6 =	vadd.f32 $2.226943490e+00, v44;
	v62 =	vand.u32 $0x7FFFFF, v16  }
0x3d: {  	v63 =	vand.u32 $0x7FFFFF, v30;
	v16 =	vshrl.u32 v16, $0x17;
	v40 =	vadd.f32 $4.205235000e+00, v32  }
0x3e: {  	v46 =	vadd.f32 $4.205235000e+00, v42;
	v36 =	vor.u32 $0x3F800000, v62;
	v28 =	vor.u32 $0x3F800000, v63  }
0x3f: {  	v49 =	vld [tilespmem:$0xC0];
	v9 =	vadd.f32 $-8.520795700e-01, v9;
	v6 =	vmul.f32 v19, v6;
	v28 =	vmul.f32 v28, v36  }
0x40: {  	v2 =	vadd.s32 v2, v3;
	v5 =	vmul.f32 v5, v40;
	v50 =	vmul.f32 v13, v46  }
0x41: {  	v13 =	vadd.s32 v56, v51;
	v53 =	vand.u32 $0x7FFFFF, v18;
	v9 =	vmul.f32 v25, v9  }
0x42: {  	v6 =	vadd.f32 $-3.647120480e+00, v6;
	v41 =	vand.u32 $0x7FFFFF, v28;
	v48 =	vadd.f32 $-2.099647760e+00, v5  }
0x43: {  	v5 =	vshrl.u32 v7, $0x17;
	v52 =	vand.u32 $0x7FFFFF, v27;
	v23 =	vor.u32 $0x3F800000, v53  }
0x44: {  	v7 =	vadd.s32 v55, v49;
	v37 =	vadd.f32 $-2.099647760e+00, v50;
	v26 =	vor.u32 $0x3F800000, v41  }
0x45: {  	v53 =	vor.u32 $0x8000, v0;
	v55 =	vor.u32 $0x8800, v0;
	v21 =	vor.u32 $0x3F800000, v52  }
0x46: {  	v9 =	vadd.f32 $2.226943490e+00, v9;
	v6 =	vmul.f32 v19, v6;
	v43 =	vmul.f32 $1.702961140e-02, v26  }
0x47: {  	v2 =	vadd.s32 v5, v2;
	v29 =	vmul.f32 v23, v21;
	v40 =	vadd.f32 v37, v48  }
0x48: {  	v2 =	vadd.s32 v4, v2;
	v9 =	vmul.f32 v25, v9;
	v38 =	vadd.f32 $4.205235000e+00, v6  }
0x49: {  	v23 =	vld.idx.msk [tilespmem:v13+s23+$0x0], $0xffff;
	v6 =	vshrl.u32 v12, $0x17;
	v46 =	vsub.f32 $1.837008450e-01, v43;
	v13 =	vshrl.u32 v10, $0x17  }
0x4a: {  	v10 =	vshrl.u32 v24, $0x17;
	v21 =	vand.u32 $0x7FFFFF, v29;
	v20 =	vld.idx.msk [tilespmem:v7+s23+$0x0], $0xffff;
	v9 =	vadd.f32 $-3.647120480e+00, v9  }
0x4b: {  	v1 =	vadd.s32 v1, v2;
	v31 =	vor.u32 $0x3F800000, v21;
	v21 =	vld.idx.msk [tilespmem:v58+s23+$0x0], $0xffff;
	v8 =	vmul.f32 v19, v38  }
0x4c: {  	v19 =	vld.idx.msk [tilespmem:v61+s23+$0x0], $0xffff;
	v7 =	vshrl.u32 v17, $0x17;
	v60 =	vmul.f32 $1.702961140e-02, v31;
	v42 =	vmul.f32 v25, v9  }
0x4d: {  	s28 =	simm.s32 $0x3;
	v9 =	vshrl.u32 v14, $0x17;
	v44 =	vadd.f32 $-2.099647760e+00, v8;
	v8 =	vshrl.u32 v15, $0x17  }
0x4e: {  	_ =	swait.ge [sflag:s28], $0x8000;
	v15 =	vshrl.u32 v18, $0x17;
	v32 =	vsub.f32 $1.837008450e-01, v60;
	v48 =	vand.u32 $0x7FFFFF, v23  }
0x4f: {  	[sflag:s28] =	ssyncset.done $0x0;
	v1 =	vadd.s32 v9, v1;
	v22 =	vadd.f32 $4.205235000e+00, v42;
	v49 =	vadd.f32 v44, v40  }
0x50: {  	[sflag:s28] =	ssyncadd.s32 $0xFFFF8000;
	v1 =	vadd.s32 v7, v1;
	v39 =	vmul.f32 v31, v32;
	v47 =	vand.u32 $0x7FFFFF, v20  }
0x51: {  	v33 =	vld [tilespmem:$0x100];
	v32 =	vor.u32 $0x3F800000, v48;
	v61 =	vand.u32 $0x7FFFFF, v21;
	v62 =	vand.u32 $0x7FFFFF, v19  }
0x52: {  	v21 =	vshrl.u32 v21, $0x17;
	v1 =	vadd.s32 v6, v1;
	v14 =	vor.u32 $0x3F800000, v47  }
0x53: {  	v35 =	vld [tilespmem:$0x110];
	v50 =	vmul.f32 v25, v22;
	v17 =	vor.u32 $0x3F800000, v61;
	v40 =	vor.u32 $0x3F800000, v62  }
0x54: {  	v47 =	vor.u32 $0x9000, v0;
	v1 =	vadd.s32 v13, v1;
	v12 =	vadd.f32 $-8.520795700e-01, v39  }
0x55: {  	v32 =	vmul.f32 v32, v14;
	v14 =	vshrl.u32 v11, $0x17;
	v11 =	vshrl.u32 v27, $0x17  }
0x56: {  	v37 =	vmul.f32 v40, v17;
	v17 =	vshrl.u32 v30, $0x17;
	v54 =	vadd.s32 v53, v33  }
0x57: {  	v40 =	vor.u32 $0xA000, v0;
	v45 =	vmul.f32 v31, v12;
	v12 =	vmul.f32 v26, v46  }
0x58: {  	v22 =	vadd.s32 v55, v35;
	v58 =	vadd.f32 $-2.099647760e+00, v50;
	v1 =	vadd.s32 v14, v1  }
0x59: {  	v1 =	vadd.s32 v8, v1;
	v34 =	vadd.f32 $2.226943490e+00, v45;
	v12 =	vadd.f32 $-8.520795700e-01, v12  }
0x5a: {  	v42 =	vld [tilespmem:$0x130];
	v52 =	vand.u32 $0x7FFFFF, v32;
	v46 =	vand.u32 $0x7FFFFF, v37;
	v1 =	vadd.s32 v11, v1  }
0x5b: {  	v51 =	vmul.f32 v31, v34;
	v34 =	vor.u32 $0x3F800000, v52;
	v12 =	vmul.f32 v26, v12;
	v24 =	vld.idx.msk [tilespmem:v54+s23+$0x0], $0xffff  }
0x5c: {  	v35 =	vadd.f32 v58, v49;
	v1 =	vadd.s32 v15, v1;
	v57 =	vmul.f32 $1.702961140e-02, v34  }
0x5d: {  	v1 =	vadd.s32 v10, v1;
	v56 =	vadd.f32 $-3.647120480e+00, v51;
	v12 =	vadd.f32 $2.226943490e+00, v12  }
0x5e: {  	v49 =	vor.u32 $0x9800, v0;
	v1 =	vadd.s32 v16, v1;
	v33 =	vsub.f32 $1.837008450e-01, v57  }
0x5f: {  	v1 =	vadd.s32 v17, v1;
	v25 =	vmul.f32 v31, v56;
	v12 =	vmul.f32 v26, v12  }
0x60: {  	v53 =	vld [tilespmem:$0x140];
	v60 =	vmul.f32 v34, v33;
	v38 =	vand.u32 $0x7FFFFF, v24;
	v33 =	vadd.s32 v49, v42  }
0x61: {  	v61 =	vld [tilespmem:$0x170];
	v24 =	vshrl.u32 v24, $0x17;
	v59 =	vadd.f32 $4.205235000e+00, v25;
	v36 =	vadd.f32 $-3.647120480e+00, v12  }
0x62: {  	v41 =	vld [tilespmem:$0x120];
	v12 =	vshrl.u32 v29, $0x17;
	v29 =	vor.u32 $0x3F800000, v46;
	v51 =	vor.u32 $0x3F800000, v38  }
0x63: {  	v25 =	vld.idx.msk [tilespmem:v22+s23+$0x0], $0xffff;
	v46 =	vor.u32 $0xB800, v0;
	v63 =	vadd.f32 $-8.520795700e-01, v60;
	v48 =	vmul.f32 $1.702961140e-02, v29  }
0x64: {  	v60 =	vor.u32 $0xA800, v0;
	v1 =	vadd.s32 v12, v1;
	v31 =	vmul.f32 v31, v59  }
0x65: {  	v55 =	vld [tilespmem:$0x150];
	v45 =	vmul.f32 v26, v36;
	v36 =	vadd.s32 v40, v53;
	v43 =	vmul.f32 v34, v63  }
0x66: {  	v40 =	vadd.s32 v46, v61;
	v50 =	vsub.f32 $1.837008450e-01, v48;
	v44 =	vadd.f32 $-2.099647760e+00, v31  }
0x67: {  	v46 =	vld [tilespmem:$0x190];
	v31 =	vadd.s32 v47, v41;
	v27 =	vadd.f32 $4.205235000e+00, v45;
	v18 =	vadd.f32 $2.226943490e+00, v43  }
0x68: {  	v33 =	vld.idx.msk [tilespmem:v33+s23+$0x0], $0xffff;
	v39 =	vand.u32 $0x7FFFFF, v25;
	v54 =	vmul.f32 v29, v50;
	v25 =	vshrl.u32 v25, $0x17  }
0x69: {  	v41 =	vld [tilespmem:$0x160];
	v52 =	vor.u32 $0x3F800000, v39;
	v22 =	vadd.f32 v44, v35;
	v26 =	vmul.f32 v26, v27  }
0x6a: {  	v39 =	vadd.s32 v60, v55;
	v44 =	vor.u32 $0xB000, v0;
	v18 =	vmul.f32 v34, v18  }
0x6b: {  	v60 =	vor.u32 $0xC800, v0;
	v35 =	vmul.f32 v52, v51;
	v57 =	vadd.f32 $-8.520795700e-01, v54  }
0x6c: {  	v36 =	vld.idx.msk [tilespmem:v36+s23+$0x0], $0xffff;
	v46 =	vadd.s32 v60, v46;
	v26 =	vadd.f32 $-2.099647760e+00, v26;
	v18 =	vadd.f32 $-3.647120480e+00, v18  }
0x6d: {  	v40 =	vld.idx.msk [tilespmem:v40+s23+$0x0], $0xffff;
	v56 =	vand.u32 $0x7FFFFF, v35;
	v27 =	vmul.f32 v29, v57;
	v43 =	vand.u32 $0x7FFFFF, v33  }
0x6e: {  	v41 =	vadd.s32 v44, v41;
	v33 =	vshrl.u32 v33, $0x17;
	v30 =	vor.u32 $0x3F800000, v56  }
0x6f: {  	v43 =	vor.u32 $0x3F800000, v43;
	v26 =	vadd.f32 v26, v22;
	v22 =	vshrl.u32 v20, $0x17  }
0x70: {  	v31 =	vld.idx.msk [tilespmem:v31+s23+$0x0], $0xffff;
	v20 =	vshrl.u32 v23, $0x17;
	v58 =	vmul.f32 v34, v18;
	v59 =	vmul.f32 $1.702961140e-02, v30  }
0x71: {  	v18 =	vshrl.u32 v28, $0x17;
	v27 =	vadd.f32 $2.226943490e+00, v27;
	v1 =	vadd.s32 v22, v1  }
0x72: {  	v50 =	vand.u32 $0x7FFFFF, v36;
	v57 =	vand.u32 $0x7FFFFF, v40;
	v36 =	vshrl.u32 v36, $0x17  }
0x73: {  	v39 =	vld.idx.msk [tilespmem:v39+s23+$0x0], $0xffff;
	v5 =	vshrl.u32 v40, $0x17;
	v1 =	vadd.s32 v20, v1;
	v42 =	vsub.f32 $1.837008450e-01, v59  }
0x74: {  	v62 =	vadd.f32 $4.205235000e+00, v58;
	v27 =	vmul.f32 v29, v27;
	v59 =	vor.u32 $0xC000, v0  }
0x75: {  	v1 =	vadd.s32 v18, v1;
	v45 =	vand.u32 $0x7FFFFF, v31;
	v31 =	vshrl.u32 v31, $0x17  }
0x76: {  	v1 =	vadd.s32 v21, v1;
	v63 =	vmul.f32 v30, v42;
	v42 =	vor.u32 $0x3F800000, v45  }
0x77: {  	v28 =	vmul.f32 v34, v62;
	v27 =	vadd.f32 $-3.647120480e+00, v27;
	v42 =	vmul.f32 v43, v42  }
0x78: {  	v41 =	vld.idx.msk [tilespmem:v41+s23+$0x0], $0xffff;
	v51 =	vand.u32 $0x7FFFFF, v39;
	v43 =	vor.u32 $0x3F800000, v50;
	v39 =	vshrl.u32 v39, $0x17  }
0x79: {  	v38 =	vadd.f32 $-8.520795700e-01, v63;
	v27 =	vmul.f32 v29, v27;
	v44 =	vor.u32 $0x3F800000, v51  }
0x7a: {  	v28 =	vadd.f32 $-2.099647760e+00, v28;
	v47 =	vand.u32 $0x7FFFFF, v42;
	v43 =	vmul.f32 v44, v43  }
0x7b: {  	v48 =	vmul.f32 v30, v38;
	v38 =	vor.u32 $0x3F800000, v47;
	v27 =	vadd.f32 $4.205235000e+00, v27  }
0x7c: {  	v42 =	vshrl.u32 v42, $0x17;
	v28 =	vadd.f32 v28, v26;
	v49 =	vmul.f32 $1.702961140e-02, v38  }
0x7d: {  	v55 =	vld [tilespmem:$0x180];
	v56 =	vand.u32 $0x7FFFFF, v41;
	v34 =	vadd.f32 $2.226943490e+00, v48;
	v27 =	vmul.f32 v29, v27  }
0x7e: {  	v54 =	vand.u32 $0x7FFFFF, v43;
	v44 =	vor.u32 $0x3F800000, v56;
	v23 =	vsub.f32 $1.837008450e-01, v49  }
0x7f: {  	v56 =	vor.u32 $0xD000, v0;
	v34 =	vmul.f32 v30, v34;
	v61 =	vadd.f32 $-2.099647760e+00, v27  }
0x80: {  	v45 =	vmul.f32 v38, v23;
	v23 =	vshrl.u32 v32, $0x17;
	v32 =	vor.u32 $0x3F800000, v54  }
0x81: {  	v27 =	vshrl.u32 v19, $0x17;
	v52 =	vadd.f32 $-3.647120480e+00, v34;
	v47 =	vmul.f32 $1.702961140e-02, v32  }
0x82: {  	v34 =	vadd.s32 v59, v55;
	v55 =	vld [tilespmem:$0x1B0];
	v53 =	vadd.f32 $-8.520795700e-01, v45;
	v45 =	vor.u32 $0x3F800000, v57  }
0x83: {  	v1 =	vadd.s32 v27, v1;
	v28 =	vadd.f32 v61, v28;
	v44 =	vmul.f32 v45, v44  }
0x84: {  	v59 =	vor.u32 $0xD800, v0;
	v26 =	vmul.f32 v30, v52;
	v58 =	vsub.f32 $1.837008450e-01, v47  }
0x85: {  	v1 =	vadd.s32 v23, v1;
	v29 =	vmul.f32 v38, v53;
	v48 =	vand.u32 $0x7FFFFF, v44  }
0x86: {  	v45 =	vmul.f32 v32, v58;
	v62 =	vadd.f32 $4.205235000e+00, v26;
	v26 =	vshrl.u32 v37, $0x17  }
0x87: {  	v48 =	vor.u32 $0x3F800000, v48;
	v29 =	vadd.f32 $2.226943490e+00, v29;
	v61 =	vadd.s32 v59, v55  }
0x88: {  	v34 =	vld.idx.msk [tilespmem:v34+s23+$0x0], $0xffff;
	v1 =	vadd.s32 v26, v1;
	v49 =	vmul.f32 $1.702961140e-02, v48;
	v45 =	vadd.f32 $-8.520795700e-01, v45  }
0x89: {  	v19 =	vmul.f32 v30, v62;
	v1 =	vadd.s32 v24, v1;
	v29 =	vmul.f32 v38, v29  }
0x8a: {  	v1 =	vadd.s32 v25, v1;
	v63 =	vsub.f32 $1.837008450e-01, v49;
	v49 =	vmul.f32 v32, v45;
	v45 =	vld.idx.msk [tilespmem:v46+s23+$0x0], $0xffff  }
0x8b: {  	v50 =	vadd.f32 $-2.099647760e+00, v19;
	v19 =	vshrl.u32 v35, $0x17;
	v1 =	vadd.s32 v31, v1  }
0x8c: {  	v29 =	vadd.f32 $-3.647120480e+00, v29;
	v1 =	vadd.s32 v33, v1;
	v37 =	vmul.f32 v48, v63  }
0x8d: {  	v52 =	vld [tilespmem:$0x1A0];
	v30 =	vadd.f32 $2.226943490e+00, v49;
	v28 =	vadd.f32 v50, v28;
	v53 =	vand.u32 $0x7FFFFF, v34  }
0x8e: {  	v49 =	vor.u32 $0xE000, v0;
	v1 =	vadd.s32 v19, v1;
	v51 =	vadd.f32 $-8.520795700e-01, v37  }
0x8f: {  	v29 =	vmul.f32 v38, v29;
	v30 =	vmul.f32 v32, v30;
	v54 =	vand.u32 $0x7FFFFF, v45  }
0x90: {  	v46 =	vor.u32 $0x3F800000, v53;
	v35 =	vmul.f32 v48, v51;
	v47 =	vor.u32 $0x3F800000, v54  }
0x91: {  	v63 =	vld [tilespmem:$0x1C0];
	v1 =	vadd.s32 v36, v1;
	v30 =	vadd.f32 $-3.647120480e+00, v30;
	v46 =	vmul.f32 v47, v46  }
0x92: {  	v37 =	vadd.s32 v56, v52;
	v29 =	vadd.f32 $4.205235000e+00, v29;
	v47 =	vld [tilespmem:$0x1D0];
	v35 =	vadd.f32 $2.226943490e+00, v35  }
0x93: {  	v1 =	vadd.s32 v39, v1;
	v30 =	vmul.f32 v32, v30;
	v57 =	vand.u32 $0x7FFFFF, v46  }
0x94: {  	v54 =	vld [tilespmem:$0x1F0];
	v29 =	vmul.f32 v38, v29;
	v35 =	vmul.f32 v48, v35;
	v38 =	vor.u32 $0x3F800000, v57  }
0x95: {  	v52 =	vld [tilespmem:$0x1E0];
	v51 =	vor.u32 $0xE800, v0;
	v30 =	vadd.f32 $4.205235000e+00, v30;
	v58 =	vmul.f32 $1.702961140e-02, v38  }
0x96: {  	v50 =	vadd.s32 v49, v63;
	v29 =	vadd.f32 $-2.099647760e+00, v29;
	v35 =	vadd.f32 $-3.647120480e+00, v35  }
0x97: {  	v30 =	vmul.f32 v32, v30;
	v53 =	vadd.s32 v51, v47;
	v32 =	vsub.f32 $1.837008450e-01, v58  }
0x98: {  	v37 =	vld.idx.msk [tilespmem:v37+s23+$0x0], $0xffff;
	v58 =	vor.u32 $0xF000, v0;
	v0 =	vor.u32 $0xF800, v0;
	v60 =	vmul.f32 v48, v35  }
0x99: {  	v3 =	vshrl.u32 v41, $0x17;
	v1 =	vadd.s32 v42, v1;
	v35 =	vld.idx.msk [tilespmem:v61+s23+$0x0], $0xffff;
	v0 =	vadd.s32 v0, v54  }
0x9a: {  	v28 =	vadd.f32 v29, v28;
	v29 =	vadd.f32 $4.205235000e+00, v60;
	v60 =	vadd.s32 v58, v52  }
0x9b: {  	v43 =	vshrl.u32 v43, $0x17;
	v4 =	vshrl.u32 v44, $0x17;
	v1 =	vadd.s32 v3, v1;
	v59 =	vld.idx.msk [tilespmem:v50+s23+$0x0], $0xffff  }
0x9c: {  	v1 =	vadd.s32 v5, v1;
	v30 =	vadd.f32 $-2.099647760e+00, v30;
	v62 =	vmul.f32 v38, v32;
	v7 =	vld.idx.msk [tilespmem:v53+s23+$0x0], $0xffff  }
0x9d: {  	v1 =	vadd.s32 v43, v1;
	v55 =	vand.u32 $0x7FFFFF, v37;
	v29 =	vmul.f32 v48, v29  }
0x9e: {  	v28 =	vadd.f32 v30, v28;
	v30 =	vadd.f32 $-8.520795700e-01, v62;
	v56 =	vand.u32 $0x7FFFFF, v35;
	v0 =	vld.idx.msk [tilespmem:v0+s23+$0x0], $0xffff  }
0x9f: {  	v6 =	vor.u32 $0x3F800000, v55;
	v29 =	vadd.f32 $-2.099647760e+00, v29;
	v57 =	vor.u32 $0x3F800000, v56;
	v9 =	vld.idx.msk [tilespmem:v60+s23+$0x0], $0xffff  }
0xa0: {  	v48 =	vmul.f32 v38, v30;
	v30 =	vand.u32 $0x7FFFFF, v59;
	v6 =	vmul.f32 v57, v6  }
0xa1: {  	v12 =	vor.u32 $0x3F800000, v30;
	v62 =	vadd.f32 v29, v28;
	v32 =	vand.u32 $0x7FFFFF, v7  }
0xa2: {  	v28 =	vshrl.u32 v34, $0x17;
	v61 =	vand.u32 $0x7FFFFF, v6;
	v16 =	vor.u32 $0x3F800000, v32  }
0xa3: {  	v29 =	vshrl.u32 v45, $0x17;
	v11 =	vor.u32 $0x3F800000, v61;
	v12 =	vmul.f32 v16, v12  }
0xa4: {  	v44 =	vand.u32 $0x7FFFFF, v0;
	v63 =	vmul.f32 $1.702961140e-02, v11;
	v41 =	vand.u32 $0x7FFFFF, v9  }
0xa5: {  	v1 =	vadd.s32 v28, v1;
	v20 =	vor.u32 $0x3F800000, v44;
	v18 =	vor.u32 $0x3F800000, v41  }
0xa6: {  	v40 =	vand.u32 $0x7FFFFF, v12;
	v10 =	vsub.f32 $1.837008450e-01, v63;
	v18 =	vmul.f32 v20, v18  }
0xa7: {  	v34 =	vshrl.u32 v46, $0x17;
	v1 =	vadd.s32 v29, v1;
	v17 =	vor.u32 $0x3F800000, v40  }
0xa8: {  	v45 =	vmul.f32 $1.702961140e-02, v17;
	v10 =	vmul.f32 v11, v10;
	v46 =	vand.u32 $0x7FFFFF, v18  }
0xa9: {  	v53 =	vshrl.u32 v37, $0x17;
	v1 =	vadd.s32 v4, v1;
	v21 =	vor.u32 $0x3F800000, v46  }
0xaa: {  	v20 =	vsub.f32 $1.837008450e-01, v45;
	v10 =	vadd.f32 $-8.520795700e-01, v10;
	v47 =	vmul.f32 $1.702961140e-02, v21  }
0xab: {  	v54 =	vshrl.u32 v35, $0x17;
	v2 =	vadd.f32 $2.226943490e+00, v48;
	v1 =	vadd.s32 v53, v1  }
0xac: {  	v48 =	vmul.f32 v17, v20;
	v10 =	vmul.f32 v11, v10;
	v49 =	vsub.f32 $1.837008450e-01, v47  }
0xad: {  	v8 =	vshrl.u32 v59, $0x17;
	v1 =	vadd.s32 v54, v1  }
0xae: {  	v19 =	vadd.f32 $-8.520795700e-01, v48;
	v10 =	vadd.f32 $2.226943490e+00, v10;
	v50 =	vmul.f32 v21, v49  }
0xaf: {  	v7 =	vshrl.u32 v7, $0x17;
	v2 =	vmul.f32 v38, v2;
	v1 =	vadd.s32 v34, v1  }
0xb0: {  	v52 =	vmul.f32 v17, v19;
	v10 =	vmul.f32 v11, v10;
	v13 =	vadd.f32 $-8.520795700e-01, v50  }
0xb1: {  	v55 =	vshrl.u32 v6, $0x17;
	v2 =	vadd.f32 $-3.647120480e+00, v2;
	v1 =	vadd.s32 v8, v1  }
0xb2: {  	v51 =	vadd.f32 $-3.647120480e+00, v10;
	v10 =	vadd.f32 $2.226943490e+00, v52;
	v13 =	vmul.f32 v21, v13  }
0xb3: {  	v58 =	vshrl.u32 v9, $0x17;
	v2 =	vmul.f32 v38, v2;
	v1 =	vadd.s32 v7, v1  }
0xb4: {  	v1 =	vadd.s32 v55, v1;
	v10 =	vmul.f32 v17, v10;
	v56 =	vadd.f32 $2.226943490e+00, v13  }
0xb5: {  	v0 =	vshrl.u32 v0, $0x17;
	v2 =	vadd.f32 $4.205235000e+00, v2;
	v1 =	vadd.s32 v58, v1  }
0xb6: {  	v3 =	vmul.f32 v11, v51;
	v57 =	vadd.f32 $-3.647120480e+00, v10;
	v6 =	vmul.f32 v21, v56  }
0xb7: {  	v60 =	vshrl.u32 v12, $0x17;
	v2 =	vmul.f32 v38, v2;
	v0 =	vadd.s32 v0, v1  }
0xb8: {  	v3 =	vadd.f32 $4.205235000e+00, v3;
	v5 =	vmul.f32 v17, v57;
	v6 =	vadd.f32 $-3.647120480e+00, v6  }
0xb9: {  	v61 =	vshrl.u32 v18, $0x17;
	v2 =	vadd.f32 $-2.099647760e+00, v2;
	v0 =	vadd.s32 v60, v0  }
0xba: {  	v3 =	vmul.f32 v11, v3;
	v5 =	vadd.f32 $4.205235000e+00, v5;
	v59 =	vmul.f32 v21, v6  }
0xbb: {  	v2 =	vadd.f32 v2, v62;
	v0 =	vadd.s32 v61, v0  }
0xbc: {  	v3 =	vadd.f32 $-2.099647760e+00, v3;
	v5 =	vmul.f32 v17, v5;
	v4 =	vadd.f32 $4.205235000e+00, v59  }
0xbd: {  	v0 =	vcvt.s32.f32 v0  }
0xbe: {  	v2 =	vadd.f32 v3, v2;
	v62 =	vadd.f32 $-2.099647760e+00, v5;
	v63 =	vmul.f32 v21, v4  }
0xbf: {  	v0 =	vadd.f32 $-6.096000000e+03, v0  }
0xc0: {  	v2 =	vadd.f32 v62, v2;
	v1 =	vadd.f32 $-2.099647760e+00, v63;
	_ =	sdelay $0x1  }
0xc1: {  	v0 =	vmul.f32 $6.931471820e-01, v0;
	v1 =	vadd.f32 v1, v2;
	_ =	sdelay $0x1  }
0xc2: {  	v0 =	vadd.f32 v1, v0;
	_ =	sdelay $0x1  }
0xc3: {  	(xrf2) =	vadd.scan.msk.f32 $0xffff, v0;
	_ =	sdelay $0x9  }
0xc4: {  	v0, _, _ =	vpop (xrf2)  }
0xc5: {  	v0 =	vbroadcast v0, $0xF  }
0xc6: {  	s29 =	sshll.u32 s3, $0x3  }
0xc7: {  	s30 =	simm.s32 $0x10200;
	s31 =	simm.s32 $0x4;
	s4 =	sadd.s32 s29, s2;
	[tilespmem:$0x10200] =	vst v0  }
0xc8: {  	[spmem:s4] =	stream.linear.scatter [tilespmem:s30], [sflag:$0x4], $0x8, $0x38;
	[tilespmem:$0x10388] =	vst v63  }
0xc9: {  	_ =	swait.ge [sflag:s31], $0x8  }
0xca: {  	[sflag:s31] =	ssyncset.done $0x0  }
0xcb: {  	[sflag:s31] =	ssyncadd.s32 $0xFFFFFFF8  }
0xcc: {  	p0 =	sne.s32 s3, $0x0;
	[bflag:$0x0] =	sbarrier.arrive $0xFFFF  }
0xcd: {  	_ =	sfence.sel @p0 $0x180000  }
0xce: {  	[bflag:$0x0] =	sbarrier.arrive @p0 $0xFFFF  }
0xcf: {  	_ =	strace @p0 $0x90000047  }
0xd0: {  	s3 =	simm.s32 @!p0 $0x10288;
	[bflag:$0x2] =	sbarrier.arrive @p0 $0xFFFF  }
0xd1: {  	[tilespmem:s3], [sflag:$0x4] =	stream.linear.gather @!p0 [spmem:s2], $0x80, $0x38;
	[tilespmem:$0x10388] =	vst v63  }
0xd2: {  	s2 =	simm.s32 @!p0 $0x4  }
0xd3: {  	_ =	swait.ge @!p0 [sflag:s2], $0x80  }
0xd4: {  	[sflag:s2] =	ssyncset.done @!p0 $0x0  }
0xd5: {  	[sflag:s2] =	ssyncadd.s32 @!p0 $0xFFFFFF80  }
0xd6: {  	v0 =	vld @!p0 [tilespmem:$0x10288];
	_ =	sdelay $0x1  }
0xd7: {  	v1 =	vld @!p0 [tilespmem:$0x10298];
	_ =	sdelay $0x1  }
0xd8: {  	v2 =	vld @!p0 [tilespmem:$0x102A8]  }
0xd9: {  	v0 =	vadd.f32 @!p0 $0.0e+00, v0  }
0xda: {  	v3 =	vld @!p0 [tilespmem:$0x102B8]  }
0xdb: {  	v0 =	vadd.f32 @!p0 v1, v0  }
0xdc: {  	v1 =	vld @!p0 [tilespmem:$0x102C8]  }
0xdd: {  	v0 =	vadd.f32 @!p0 v2, v0  }
0xde: {  	v2 =	vld @!p0 [tilespmem:$0x102D8]  }
0xdf: {  	v0 =	vadd.f32 @!p0 v3, v0  }
0xe0: {  	v3 =	vld @!p0 [tilespmem:$0x102E8]  }
0xe1: {  	v0 =	vadd.f32 @!p0 v1, v0  }
0xe2: {  	v1 =	vld @!p0 [tilespmem:$0x102F8]  }
0xe3: {  	v0 =	vadd.f32 @!p0 v2, v0;
	_ =	sdelay $0x1  }
0xe4: {  	v0 =	vadd.f32 @!p0 v3, v0;
	_ =	sdelay $0x1  }
0xe5: {  	v0 =	vadd.f32 @!p0 v1, v0;
	_ =	sdelay $0x1  }
0xe6: {  	(xrf2) =	vadd.scan.msk.f32 @!p0 $0xffff, v0;
	_ =	sdelay $0x9  }
0xe7: {  	v0, _, _ =	vpop @!p0 (xrf2)  }
0xe8: {  	(v2sf) =	vpush @!p0 v0, $0xF;
	_ =	sdelay $0xe  }
0xe9: {  	s3 =	spop @!p0 (v2sf)  }
0xea: {  	s3 =	smul.f32 @!p0 $-1.250000000e-01, s3;
	_ =	sdelay $0x1  }
0xeb: {  	v0 =	vmov @!p0 s3  }
0xec: {  	s4 =	simm.s32 @!p0 $0x10308;
	s3 =	simm.s32 @!p0 $0x0;
	[tilespmem:$0x10308] =	vst @!p0 v0  }
0xed: {  	[hbm4b:s1+s3] =	stream.linear.scatter @!p0 [tilespmem:s4], [sflag:$0x4], $0x1, $0x38;
	[tilespmem:$0x10388] =	vst v63  }
0xee: {  	_ =	swait.ge @!p0 [sflag:s2], $0x1  }
0xef: {  	[sflag:s2] =	ssyncset.done @!p0 $0x0  }
0xf0: {  	[sflag:s2] =	ssyncadd.s32 @!p0 $0xFFFFFFFF  }
0xf1: {  	_ =	sfence.sel @!p0 $0x180000  }
0xf2: {  	[bflag:$0x0] =	sbarrier.arrive @!p0 $0xFFFF  }
0xf3: {  	_ =	strace @!p0 $0x90000047  }
0xf4: {  	s0 =	sadd.s32 @!p0 $0x100000, s0;
	[bflag:$0x2] =	sbarrier.arrive @!p0 $0xFFFF  }
0xf5: {  	[sflag:s0] =	ssyncadd.tile.s32 @!p0 $0x1;
	_ =	shalt  }
.Lfunc_end2:
_tile_overlayer_lowered:
.L_overlay_start_2:
0xf6: {  	(tag) =	ssettag $0x2  }
0xf7: {  	s0 =	rddreg [dreg:$0x0];
	s2 =	stileid.u32  }
0xf8: {  	s1 =	rddreg [dreg:$0x1];
	p0 =	sne.s32 s2, $0x0  }
0xf9: {  	s3 =	rddreg [dreg:$0x2];
	[bflag:$0x3] =	sbarrier.arrive $0xFFFF;
	s2 =	simm.s32 @!p0 $0x1C04  }
0xfa: {  	[timem:s3], [sflag:s2] =	dma.local @!p0 [hbm:s0], s1  }
0xfb: {  	s0 =	simm.s32 @!p0 $0x4  }
0xfc: {  	_ =	swait.ge @!p0 [sflag:s0], s1  }
0xfd: {  	s1 =	ssub.s32 @!p0 $0x0, s1;
	[sflag:s0] =	ssyncset.done @!p0 $0x0  }
0xfe: {  	[sflag:s0] =	ssyncadd.s32 @!p0 s1  }
0xff: {  	[bflag:$0x3] =	sbarrier.arrive $0xFFFF  }
0x100: {  	_ =	shalt  }

</sc_bundles>
